<compile_context>
chip_gen: v7x
topology: tpu7x:2x2x1
jax: 0.10.2.dev20260603
libtpu: 0.0.44.dev20260713+nightly
codegen_flags: <defaults>
</compile_context>

<pallas_src>
import functools

import jax
import jax.numpy as jnp
from jax import lax
from jax.experimental import pallas as pl
from jax.experimental.pallas import tpu as pltpu
from jax.experimental.pallas import tpu_sc as plsc

_B, _F, _V, _E, _NUM = 4096, 26, 100000, 64, 13
_D = _F * _E + _E
_NC, _NS = 2, 16
_NW = _NC * _NS
_RPW = _B * _F // _NW
_J = _RPW // 128
_JP = 32
_GV = 12800
_NV = -(-_V // _GV)
_VP = _NV * _GV


def _transform_body(t_ref, wp_ref, out_ref):
    lhs = t_ref[...].reshape(2 * _E, _GV)
    r = lax.dot_general(
        lhs, wp_ref[0], (((0,), (0,)), ((), ())),
        preferred_element_type=jnp.float32)
    au = lax.bitcast_convert_type(
        r[: _GV // 2].astype(jnp.bfloat16), jnp.uint16).astype(jnp.uint32)
    bu = lax.bitcast_convert_type(
        r[_GV // 2:].astype(jnp.bfloat16), jnp.uint16).astype(jnp.uint32)
    out_ref[...] = lax.bitcast_convert_type((au << 16) | bu, jnp.float32)


def _tc_transform(tabT, Wp):
    return pl.pallas_call(
        _transform_body,
        grid=(13, _NV),
        in_specs=[
            pl.BlockSpec((2, _E, _GV), lambda k, j: (k, 0, j)),
            pl.BlockSpec((1, 2 * _E, 2 * _E), lambda k, j: (k, 0, 0)),
        ],
        out_specs=pl.BlockSpec((_GV // 2, 2 * _E),
                               lambda k, j: (k * _NV + j, 0)),
        out_shape=jax.ShapeDtypeStruct((13 * _VP // 2, 2 * _E), jnp.float32),
    )(tabT, Wp)


def _make_sc_gather():
    mesh = plsc.VectorSubcoreMesh(
        core_axis_name="c", subcore_axis_name="s",
        num_cores=_NC, num_subcores=_NS)

    @functools.partial(
        pl.kernel,
        out_type=jax.ShapeDtypeStruct((_NW, _J, 128, 128), jnp.float32),
        mesh=mesh,
        scratch_types=[
            pltpu.VMEM((_JP, 128), jnp.int32),
            pltpu.VMEM((128, 128), jnp.float32),
            pltpu.SemaphoreType.DMA,
        ],
    )
    def sc_gather(idx_hbm, tab_hbm, out_hbm, idx_v, rows_v, sem):
        wid = lax.axis_index("s") * _NC + lax.axis_index("c")
        pltpu.sync_copy(idx_hbm.at[wid], idx_v)

        def body(j, carry):
            pltpu.async_copy(tab_hbm.at[idx_v.at[j]], rows_v, sem).wait()
            pltpu.sync_copy(rows_v, out_hbm.at[wid, j])
            return carry

        lax.fori_loop(0, _J, body, 0, unroll=False)

    return sc_gather


_SC_GATHER_CACHE = []


def _sc_gather_fn():
    if not _SC_GATHER_CACHE:
        _SC_GATHER_CACHE.append(_make_sc_gather())
    return _SC_GATHER_CACHE[0]


def _tc_combine_body(g_ref, sel_ref, xn_ref, wn_ref, bn_ref, wnt_ref,
                     bf_ref, out_ref):
    num_emb = lax.dot_general(
        xn_ref[...], wn_ref[...], (((1,), (1,)), ((), ())),
        preferred_element_type=jnp.float32) + bn_ref[...]
    o = bf_ref[...] + lax.dot_general(
        num_emb, wnt_ref[...], (((1,), (0,)), ((), ())),
        preferred_element_type=jnp.float32)
    g = lax.bitcast_convert_type(g_ref[...], jnp.uint32)
    sel = sel_ref[...]
    for f in range(_F):
        u = g[0, f]
        even = lax.bitcast_convert_type(u & jnp.uint32(0xFFFF0000),
                                        jnp.float32)
        odd = lax.bitcast_convert_type(u << 16, jnp.float32)
        m = sel[0, f][:, None] > 0.5
        row = jnp.where(m, odd, even)
        o = o + (row[:, :_E] if f % 2 == 0 else row[:, _E:])
    out_ref[...] = o


def _tc_combine(g, sel, X_num, W_num, b_num2, WnT, b_final2):
    BB = _B // _NW
    return pl.pallas_call(
        _tc_combine_body,
        grid=(_B // BB,),
        in_specs=[
            pl.BlockSpec((1, _J, 128, 128), lambda i: (i, 0, 0, 0)),
            pl.BlockSpec((1, _J, 128), lambda i: (i, 0, 0)),
            pl.BlockSpec((BB, _NUM), lambda i: (i, 0)),
            pl.BlockSpec((_E, _NUM), lambda i: (0, 0)),
            pl.BlockSpec((1, _E), lambda i: (0, 0)),
            pl.BlockSpec((_E, _E), lambda i: (0, 0)),
            pl.BlockSpec((1, _E), lambda i: (0, 0)),
        ],
        out_specs=pl.BlockSpec((BB, _E), lambda i: (i, 0)),
        out_shape=jax.ShapeDtypeStruct((_B, _E), jnp.float32),
    )(g, sel, X_num, W_num, b_num2, WnT, b_final2)


def kernel(X_cat, X_num, tables, W_num, b_num, W_final, b_final):
    xc = X_cat.astype(jnp.int32)
    fcol = jnp.arange(_F, dtype=jnp.int32) // 2
    h = _GV // 2
    pair_idx = ((fcol * _NV)[None, :] + xc // _GV) * h + (xc % h)
    pair_idx = jnp.transpose(pair_idx.reshape(_NW, _B // _NW, _F), (0, 2, 1))
    pair_idx = jnp.pad(pair_idx, ((0, 0), (0, _JP - _J), (0, 0)))
    sel = jnp.transpose(((xc // h) & 1).astype(jnp.float32).reshape(
        _NW, _B // _NW, _F), (0, 2, 1))

    tabT = jnp.transpose(tables, (0, 2, 1))
    Wc3 = jnp.transpose(W_final[:, : _F * _E].reshape(_E, _F, _E), (1, 2, 0))
    Wp = jnp.zeros((13, 2 * _E, 2 * _E), jnp.float32)
    Wp = Wp.at[:, :_E, :_E].set(Wc3[0::2]).at[:, _E:, _E:].set(Wc3[1::2])

    tab2 = _tc_transform(tabT, Wp)
    g = _sc_gather_fn()(pair_idx, tab2)

    WnT = W_final[:, _F * _E:].T
    return _tc_combine(g, sel, X_num, W_num, b_num.reshape(1, _E),
                       WnT, b_final.reshape(1, _E))

# --- scband reference (transcript-rebuilt; emitter-appended) ---
"""Pipeline reference for scband-embedder-34050500723141 (READ-ONLY COPY).

The authoritative reference and input builder live on the scoring server;
editing this copy changes nothing except your own understanding.
"""

import jax, jax.numpy as jnp
import numpy as np

B = 4096
F = 26
V = 100000
E = 64
NUM = 13
D = F * E + E


def setup_inputs(seed: int = 0) -> dict:
    key = jax.random.key(seed)
    ks = jax.random.split(key, 8)
    X_cat = jax.random.randint(ks[0], (B, F), 0, V)
    X_num = jax.random.normal(ks[1], (B, NUM), dtype=jnp.float32)
    tables = jax.random.normal(ks[2], (F, V, E), dtype=jnp.float32)
    W_num = jax.random.normal(ks[3], (E, NUM), dtype=jnp.float32) * (1.0 / np.sqrt(NUM))
    b_num = jax.random.normal(ks[4], (E,), dtype=jnp.float32) * 0.01
    W_final = jax.random.normal(ks[5], (E, D), dtype=jnp.float32) * (1.0 / np.sqrt(D))
    b_final = jax.random.normal(ks[6], (E,), dtype=jnp.float32) * 0.01
    return {"X_cat": X_cat, "X_num": X_num, "tables": tables, "W_num": W_num,
            "b_num": b_num, "W_final": W_final, "b_final": b_final}


def reference(X_cat, X_num, tables, W_num, b_num, W_final, b_final):
    # CategoricalEmbedder: per-field embedding lookup, concat along feature dim
    cat_cols = X_cat.T  # [F, B]
    embs = jax.vmap(lambda tbl, idx: jnp.take(tbl, idx, axis=0))(tables, cat_cols)  # [F, B, E]
    cat_emb = jnp.transpose(embs, (1, 0, 2)).reshape(B, F * E)
    # numeric embedder: Linear(n_num_feat -> embedding_size)
    num_emb = X_num @ W_num.T + b_num
    feats = jnp.concatenate([cat_emb, num_emb], axis=1)
    # final_embedding: Linear(final_n_features -> embedding_size)
    out = feats @ W_final.T + b_final
    return out

if __name__ == "__main__":
    import jax
    _d = setup_inputs()
    print(jax.jit(kernel)(*tuple(_d.values())))

</pallas_src>

<mosaic_0001>
#map = affine_map<(d0, d1) -> (0, 0, 0)>
#map1 = affine_map<(d0, d1) -> (0, 0)>
#map2 = affine_map<(d0, d1) -> (0, 0, 0, 0)>
module attributes {stable_mosaic.version = 14 : i64} {
  func.func @sc_gather(%arg0: i32, %arg1: i32, %arg2: memref<32x32x128xi32, #tpu.memory_space<hbm>>, %arg3: memref<665600x128xf32, #tpu.memory_space<hbm>>, %arg4: memref<32x26x128x128xf32, #tpu.memory_space<hbm>>, %arg5: memref<32x128xi32, #tpu.memory_space<vmem>>, %arg6: memref<128x128xf32, #tpu.memory_space<vmem>>, %arg7: memref<!tpu.dma_semaphore, #tpu.memory_space<semaphore_mem>>) attributes {dimension_semantics = [#tpu.dimension_semantics<core_parallel>, #tpu.dimension_semantics<subcore_parallel>], iteration_bounds = array<i64: 2, 16>, scalar_prefetch = 0 : i64, scratch_operands = 3 : i64, tpu.core_type = #tpu.core_type<sc_vector_subcore>, window_params = [{transform_indices = #map}, {transform_indices = #map1}, {transform_indices = #map2}]} {
    %mul3A = arith.constant 2 : i32
    %mul3A_0 = arith.muli %arg1, %mul3A : i32
    %add3A = arith.addi %mul3A_0, %arg0 : i32
    "tpu.region"() ({
      %run_scoped3A = tpu.sem_alloc : memref<!tpu.dma_semaphore, #tpu.memory_space<semaphore_mem>>
      %dma_start3A = arith.constant 0 : i32
      %dma_start3A_6 = arith.constant 0 : i32
      %dma_start3A_7 = tpu.memref_slice %arg2[%add3A, %dma_start3A, %dma_start3A_6] : memref<32x32x128xi32, #tpu.memory_space<hbm>> -> memref<1x32x128xi32, #tpu.memory_space<hbm>>
      %dma_start3A_8 = tpu.memref_squeeze %dma_start3A_7 : memref<1x32x128xi32, #tpu.memory_space<hbm>> -> memref<32x128xi32, #tpu.memory_space<hbm>>
      %dma_start3A_9 = arith.constant 0 : i32
      %dma_start3A_10 = arith.constant 0 : i32
      %dma_start3A_11 = tpu.memref_slice %arg2[%add3A, %dma_start3A_9, %dma_start3A_10] : memref<32x32x128xi32, #tpu.memory_space<hbm>> -> memref<1x32x128xi32, #tpu.memory_space<hbm>>
      %dma_start3A_12 = tpu.memref_squeeze %dma_start3A_11 : memref<1x32x128xi32, #tpu.memory_space<hbm>> -> memref<32x128xi32, #tpu.memory_space<hbm>>
      tpu.enqueue_dma source(%dma_start3A_12 : memref<32x128xi32, #tpu.memory_space<hbm>>) target(%arg5 : memref<32x128xi32, #tpu.memory_space<vmem>>) target_semaphore(%run_scoped3A : memref<!tpu.dma_semaphore, #tpu.memory_space<semaphore_mem>>)
      %dma_wait3A = arith.constant 0 : i32
      %dma_wait3A_13 = arith.constant 0 : i32
      %dma_wait3A_14 = tpu.memref_slice %arg2[%add3A, %dma_wait3A, %dma_wait3A_13] : memref<32x32x128xi32, #tpu.memory_space<hbm>> -> memref<1x32x128xi32, #tpu.memory_space<hbm>>
      %dma_wait3A_15 = tpu.memref_squeeze %dma_wait3A_14 : memref<1x32x128xi32, #tpu.memory_space<hbm>> -> memref<32x128xi32, #tpu.memory_space<hbm>>
      %dma_wait3A_16 = arith.constant 0 : i32
      %dma_wait3A_17 = arith.constant 0 : i32
      %dma_wait3A_18 = tpu.memref_slice %arg2[%add3A, %dma_wait3A_16, %dma_wait3A_17] : memref<32x32x128xi32, #tpu.memory_space<hbm>> -> memref<1x32x128xi32, #tpu.memory_space<hbm>>
      %dma_wait3A_19 = tpu.memref_squeeze %dma_wait3A_18 : memref<1x32x128xi32, #tpu.memory_space<hbm>> -> memref<32x128xi32, #tpu.memory_space<hbm>>
      tpu.wait_dma2 semaphore(%run_scoped3A : memref<!tpu.dma_semaphore, #tpu.memory_space<semaphore_mem>>) src(%dma_wait3A_19 : memref<32x128xi32, #tpu.memory_space<hbm>>) dst(%arg5 : memref<32x128xi32, #tpu.memory_space<vmem>>)
      tpu.yield
    }) : () -> ()
    %scan3A = arith.constant 0 : i32
    %scan3A_1 = arith.constant 0 : i32
    %scan3A_2 = arith.constant 26 : i32
    %scan3A_3 = arith.addi %scan3A_1, %scan3A_2 : i32
    %scan3A_4 = arith.constant 1 : i32
    scf.for %scan3A_6 = %scan3A_1 to %scan3A_3 step %scan3A_4  : i32 {
      %dma_start3A = arith.constant 0 : i32
      %dma_start3A_7 = tpu.memref_slice %arg5[%scan3A_6, %dma_start3A] : memref<32x128xi32, #tpu.memory_space<vmem>> -> memref<1x128xi32, #tpu.memory_space<vmem>>
      %dma_start3A_8 = tpu.memref_squeeze %dma_start3A_7 : memref<1x128xi32, #tpu.memory_space<vmem>> -> memref<128xi32, #tpu.memory_space<vmem>>
      %dma_start3A_9 = arith.constant 0 : i32
      %dma_start3A_10 = arith.constant 0 : i32
      %dma_start3A_11 = tpu.memref_slice %arg3[%dma_start3A_9, %dma_start3A_10] : memref<665600x128xf32, #tpu.memory_space<hbm>> -> memref<665600x128xf32, #tpu.memory_space<hbm>>
      tpu.enqueue_indirect_dma source(%dma_start3A_11 : memref<665600x128xf32, #tpu.memory_space<hbm>>) target(%arg6 : memref<128x128xf32, #tpu.memory_space<vmem>>) offsets(%dma_start3A_8 : memref<128xi32, #tpu.memory_space<vmem>>) semaphore(%arg7 : memref<!tpu.dma_semaphore, #tpu.memory_space<semaphore_mem>>)
      %dma_wait3A = arith.constant 0 : i32
      %dma_wait3A_12 = tpu.memref_slice %arg5[%scan3A_6, %dma_wait3A] : memref<32x128xi32, #tpu.memory_space<vmem>> -> memref<1x128xi32, #tpu.memory_space<vmem>>
      %dma_wait3A_13 = tpu.memref_squeeze %dma_wait3A_12 : memref<1x128xi32, #tpu.memory_space<vmem>> -> memref<128xi32, #tpu.memory_space<vmem>>
      %dma_wait3A_14 = arith.constant 0 : i32
      %dma_wait3A_15 = arith.constant 0 : i32
      %dma_wait3A_16 = tpu.memref_slice %arg3[%dma_wait3A_14, %dma_wait3A_15] : memref<665600x128xf32, #tpu.memory_space<hbm>> -> memref<665600x128xf32, #tpu.memory_space<hbm>>
      tpu.wait_indirect_dma semaphore(%arg7 : memref<!tpu.dma_semaphore, #tpu.memory_space<semaphore_mem>>) src(%dma_wait3A_16 : memref<665600x128xf32, #tpu.memory_space<hbm>>) dst(%arg6 : memref<128x128xf32, #tpu.memory_space<vmem>>)
      "tpu.region"() ({
        %run_scoped3A = tpu.sem_alloc : memref<!tpu.dma_semaphore, #tpu.memory_space<semaphore_mem>>
        %dma_start3A_17 = arith.constant 0 : i32
        %dma_start3A_18 = arith.constant 0 : i32
        %dma_start3A_19 = tpu.memref_slice %arg4[%add3A, %scan3A_6, %dma_start3A_17, %dma_start3A_18] : memref<32x26x128x128xf32, #tpu.memory_space<hbm>> -> memref<1x1x128x128xf32, #tpu.memory_space<hbm>>
        %dma_start3A_20 = tpu.memref_squeeze %dma_start3A_19 : memref<1x1x128x128xf32, #tpu.memory_space<hbm>> -> memref<128x128xf32, #tpu.memory_space<hbm>>
        %dma_start3A_21 = arith.constant 0 : i32
        %dma_start3A_22 = arith.constant 0 : i32
        %dma_start3A_23 = tpu.memref_slice %arg4[%add3A, %scan3A_6, %dma_start3A_21, %dma_start3A_22] : memref<32x26x128x128xf32, #tpu.memory_space<hbm>> -> memref<1x1x128x128xf32, #tpu.memory_space<hbm>>
        %dma_start3A_24 = tpu.memref_squeeze %dma_start3A_23 : memref<1x1x128x128xf32, #tpu.memory_space<hbm>> -> memref<128x128xf32, #tpu.memory_space<hbm>>
        tpu.enqueue_dma source(%arg6 : memref<128x128xf32, #tpu.memory_space<vmem>>) target(%dma_start3A_24 : memref<128x128xf32, #tpu.memory_space<hbm>>) target_semaphore(%run_scoped3A : memref<!tpu.dma_semaphore, #tpu.memory_space<semaphore_mem>>)
        %dma_wait3A_25 = arith.constant 0 : i32
        %dma_wait3A_26 = arith.constant 0 : i32
        %dma_wait3A_27 = tpu.memref_slice %arg4[%add3A, %scan3A_6, %dma_wait3A_25, %dma_wait3A_26] : memref<32x26x128x128xf32, #tpu.memory_space<hbm>> -> memref<1x1x128x128xf32, #tpu.memory_space<hbm>>
        %dma_wait3A_28 = tpu.memref_squeeze %dma_wait3A_27 : memref<1x1x128x128xf32, #tpu.memory_space<hbm>> -> memref<128x128xf32, #tpu.memory_space<hbm>>
        %dma_wait3A_29 = arith.constant 0 : i32
        %dma_wait3A_30 = arith.constant 0 : i32
        %dma_wait3A_31 = tpu.memref_slice %arg4[%add3A, %scan3A_6, %dma_wait3A_29, %dma_wait3A_30] : memref<32x26x128x128xf32, #tpu.memory_space<hbm>> -> memref<1x1x128x128xf32, #tpu.memory_space<hbm>>
        %dma_wait3A_32 = tpu.memref_squeeze %dma_wait3A_31 : memref<1x1x128x128xf32, #tpu.memory_space<hbm>> -> memref<128x128xf32, #tpu.memory_space<hbm>>
        tpu.wait_dma2 semaphore(%run_scoped3A : memref<!tpu.dma_semaphore, #tpu.memory_space<semaphore_mem>>) src(%arg6 : memref<128x128xf32, #tpu.memory_space<vmem>>) dst(%dma_wait3A_32 : memref<128x128xf32, #tpu.memory_space<hbm>>)
        tpu.yield
      }) : () -> ()
    }
    %scan3A_5 = arith.constant 26 : i32
    return
  }
}

module attributes {stable_mosaic.version = 14 : i64} {
  func.func @_transform_body(%arg0: i32, %arg1: i32, %arg2: memref<2x64x12800xf32, #tpu.memory_space<vmem>>, %arg3: memref<1x128x128xf32, #tpu.memory_space<vmem>>, %arg4: memref<6400x128xf32, #tpu.memory_space<vmem>>) attributes {dimension_semantics = [#tpu.dimension_semantics<arbitrary>, #tpu.dimension_semantics<arbitrary>], iteration_bounds = array<i64: 13, 8>, scalar_prefetch = 0 : i64, scratch_operands = 0 : i64, tpu.core_type = #tpu.core_type<tc>, window_params = [{transform_indices = @transform_0, window_bounds = array<i64: 2, 64, 12800>}, {transform_indices = @transform_1, window_bounds = array<i64: 1, 128, 128>}, {transform_indices = @transform_2, window_bounds = array<i64: 6400, 128>}]} {
    %get3A = arith.constant 0 : index
    %get3A_0 = arith.constant 0 : index
    %get3A_1 = arith.constant 0 : index
    %get3A_2 = vector.load %arg2[%get3A, %get3A_0, %get3A_1] : memref<2x64x12800xf32, #tpu.memory_space<vmem>>, vector<2x64x12800xf32>
    %reshape3A = vector.shape_cast %get3A_2 : vector<2x64x12800xf32> to vector<128x12800xf32>
    %get3A_3 = arith.constant 0 : index
    %get3A_4 = arith.constant 0 : index
    %get3A_5 = arith.constant 0 : index
    %get3A_6 = vector.load %arg3[%get3A_3, %get3A_4, %get3A_5] : memref<1x128x128xf32, #tpu.memory_space<vmem>>, vector<1x128x128xf32>
    %get3A_7 = vector.shape_cast %get3A_6 : vector<1x128x128xf32> to vector<128x128xf32>
    %dot_general3A = arith.constant dense<0.000000e+00> : vector<12800x128xf32>
    %dot_general3A_8 = tpu.matmul %reshape3A, %get3A_7, %dot_general3A {dimension_numbers = #tpu.dot_dimension_numbers<[0], [0], [1], [1], [0, 1, 1, 1], [], []>, transpose_lhs_hint = false} : vector<128x12800xf32>, vector<128x128xf32>, vector<12800x128xf32> -> vector<12800x128xf32>
    %slice3A = vector.extract_strided_slice %dot_general3A_8 {offsets = [0, 0], sizes = [6400, 128], strides = [1, 1]} : vector<12800x128xf32> to vector<6400x128xf32>
    %convert_element_type3A = arith.truncf %slice3A : vector<6400x128xf32> to vector<6400x128xbf16>
    %bitcast_convert_type3A = tpu.bitcast %convert_element_type3A : vector<6400x128xbf16> -> vector<6400x128xi16>
    %convert_element_type3A_9 = arith.extui %bitcast_convert_type3A : vector<6400x128xi16> to vector<6400x128xi32>
    %slice3A_10 = vector.extract_strided_slice %dot_general3A_8 {offsets = [6400, 0], sizes = [6400, 128], strides = [1, 1]} : vector<12800x128xf32> to vector<6400x128xf32>
    %convert_element_type3A_11 = arith.truncf %slice3A_10 : vector<6400x128xf32> to vector<6400x128xbf16>
    %bitcast_convert_type3A_12 = tpu.bitcast %convert_element_type3A_11 : vector<6400x128xbf16> -> vector<6400x128xi16>
    %convert_element_type3A_13 = arith.extui %bitcast_convert_type3A_12 : vector<6400x128xi16> to vector<6400x128xi32>
    %shift_left3A = arith.constant 16 : i32
    %shift_left3A_14 = vector.broadcast %shift_left3A : i32 to vector<6400x128xi32>
    %shift_left3A_15 = arith.shli %convert_element_type3A_9, %shift_left3A_14 : vector<6400x128xi32>
    %or3A = arith.ori %shift_left3A_15, %convert_element_type3A_13 : vector<6400x128xi32>
    %bitcast_convert_type3A_16 = tpu.bitcast %or3A : vector<6400x128xi32> -> vector<6400x128xf32>
    %swap3A = arith.constant 0 : index
    %swap3A_17 = arith.constant 0 : index
    %swap3A_18 = vector.load %arg4[%swap3A, %swap3A_17] : memref<6400x128xf32, #tpu.memory_space<vmem>>, vector<6400x128xf32>
    tpu.vector_store %arg4[%swap3A, %swap3A_17], %bitcast_convert_type3A_16 {strides = array<i32>} : memref<6400x128xf32, #tpu.memory_space<vmem>>, vector<6400x128xf32>,
    return
  }
  func.func @transform_0(%arg0: i32, %arg1: i32) -> (i32, i32, i32) {
    %c0_i32 = arith.constant 0 : i32
    %c0_i32_0 = arith.constant 0 : i32
    return %arg0, %c0_i32, %arg1 : i32, i32, i32
  }
  func.func @transform_1(%arg0: i32, %arg1: i32) -> (i32, i32, i32) {
    %c0_i32 = arith.constant 0 : i32
    %c0_i32_0 = arith.constant 0 : i32
    %c0_i32_1 = arith.constant 0 : i32
    return %arg0, %c0_i32, %c0_i32_0 : i32, i32, i32
  }
  func.func @transform_2(%arg0: i32, %arg1: i32) -> (i32, i32) {
    %mul3A = arith.constant 8 : i32
    %mul3A_0 = arith.muli %arg0, %mul3A : i32
    %add3A = arith.addi %mul3A_0, %arg1 : i32
    %c0_i32 = arith.constant 0 : i32
    %c0_i32_1 = arith.constant 0 : i32
    return %add3A, %c0_i32 : i32, i32
  }
}

module attributes {stable_mosaic.version = 14 : i64} {
  func.func @_tc_combine_body(%arg0: i32, %arg1: memref<1x26x128x128xf32, #tpu.memory_space<vmem>>, %arg2: memref<1x26x128xf32, #tpu.memory_space<vmem>>, %arg3: memref<128x13xf32, #tpu.memory_space<vmem>>, %arg4: memref<64x13xf32, #tpu.memory_space<vmem>>, %arg5: memref<1x64xf32, #tpu.memory_space<vmem>>, %arg6: memref<64x64xf32, #tpu.memory_space<vmem>>, %arg7: memref<1x64xf32, #tpu.memory_space<vmem>>, %arg8: memref<128x64xf32, #tpu.memory_space<vmem>>) attributes {dimension_semantics = [#tpu.dimension_semantics<arbitrary>], iteration_bounds = array<i64: 32>, scalar_prefetch = 0 : i64, scratch_operands = 0 : i64, tpu.core_type = #tpu.core_type<tc>, window_params = [{transform_indices = @transform_0, window_bounds = array<i64: 1, 26, 128, 128>}, {transform_indices = @transform_1, window_bounds = array<i64: 1, 26, 128>}, {transform_indices = @transform_2, window_bounds = array<i64: 128, 13>}, {pipeline_mode = #tpu.pipeline_mode<synchronous>, transform_indices = @transform_3, window_bounds = array<i64: 64, 13>}, {pipeline_mode = #tpu.pipeline_mode<synchronous>, transform_indices = @transform_4, window_bounds = array<i64: 1, 64>}, {pipeline_mode = #tpu.pipeline_mode<synchronous>, transform_indices = @transform_5, window_bounds = array<i64: 64, 64>}, {pipeline_mode = #tpu.pipeline_mode<synchronous>, transform_indices = @transform_6, window_bounds = array<i64: 1, 64>}, {transform_indices = @transform_7, window_bounds = array<i64: 128, 64>}]} {
    %get3A = arith.constant 0 : index
    %get3A_0 = arith.constant 0 : index
    %get3A_1 = vector.load %arg3[%get3A, %get3A_0] : memref<128x13xf32, #tpu.memory_space<vmem>>, vector<128x13xf32>
    %get3A_2 = arith.constant 0 : index
    %get3A_3 = arith.constant 0 : index
    %get3A_4 = vector.load %arg4[%get3A_2, %get3A_3] : memref<64x13xf32, #tpu.memory_space<vmem>>, vector<64x13xf32>
    %dot_general3A = arith.constant dense<0.000000e+00> : vector<128x64xf32>
    %dot_general3A_5 = tpu.matmul %get3A_1, %get3A_4, %dot_general3A {dimension_numbers = #tpu.dot_dimension_numbers<[1], [1], [0], [0], [0, 0, 1, 0], [], []>, transpose_lhs_hint = false} : vector<128x13xf32>, vector<64x13xf32>, vector<128x64xf32> -> vector<128x64xf32>
    %get3A_6 = arith.constant 0 : index
    %get3A_7 = arith.constant 0 : index
    %get3A_8 = vector.load %arg5[%get3A_6, %get3A_7] : memref<1x64xf32, #tpu.memory_space<vmem>>, vector<1x64xf32>
    %add3A = vector.broadcast %get3A_8 : vector<1x64xf32> to vector<128x64xf32>
    %add3A_9 = arith.addf %dot_general3A_5, %add3A : vector<128x64xf32>
    %get3A_10 = arith.constant 0 : index
    %get3A_11 = arith.constant 0 : index
    %get3A_12 = vector.load %arg7[%get3A_10, %get3A_11] : memref<1x64xf32, #tpu.memory_space<vmem>>, vector<1x64xf32>
    %get3A_13 = arith.constant 0 : index
    %get3A_14 = arith.constant 0 : index
    %get3A_15 = vector.load %arg6[%get3A_13, %get3A_14] : memref<64x64xf32, #tpu.memory_space<vmem>>, vector<64x64xf32>
    %dot_general3A_16 = arith.constant dense<0.000000e+00> : vector<128x64xf32>
    %dot_general3A_17 = tpu.matmul %add3A_9, %get3A_15, %dot_general3A_16 {dimension_numbers = #tpu.dot_dimension_numbers<[1], [0], [0], [1], [0, 0, 1, 1], [], []>, transpose_lhs_hint = false} : vector<128x64xf32>, vector<64x64xf32>, vector<128x64xf32> -> vector<128x64xf32>
    %add3A_18 = vector.broadcast %get3A_12 : vector<1x64xf32> to vector<128x64xf32>
    %add3A_19 = arith.addf %add3A_18, %dot_general3A_17 : vector<128x64xf32>
    %get3A_20 = arith.constant 0 : index
    %get3A_21 = arith.constant 0 : index
    %get3A_22 = arith.constant 0 : index
    %get3A_23 = arith.constant 0 : index
    %get3A_24 = vector.load %arg1[%get3A_20, %get3A_21, %get3A_22, %get3A_23] : memref<1x26x128x128xf32, #tpu.memory_space<vmem>>, vector<1x26x128x128xf32>
    %bitcast_convert_type3A = tpu.bitcast %get3A_24 : vector<1x26x128x128xf32> -> vector<1x26x128x128xi32>
    %get3A_25 = arith.constant 0 : index
    %get3A_26 = arith.constant 0 : index
    %get3A_27 = arith.constant 0 : index
    %get3A_28 = vector.load %arg2[%get3A_25, %get3A_26, %get3A_27] : memref<1x26x128xf32, #tpu.memory_space<vmem>>, vector<1x26x128xf32>
    %slice3A = vector.extract_strided_slice %bitcast_convert_type3A {offsets = [0, 0, 0, 0], sizes = [1, 1, 128, 128], strides = [1, 1, 1, 1]} : vector<1x26x128x128xi32> to vector<1x1x128x128xi32>
    %squeeze3A = vector.shape_cast %slice3A : vector<1x1x128x128xi32> to vector<128x128xi32>
    %and3A = arith.constant -65536 : i32
    %and3A_29 = vector.broadcast %and3A : i32 to vector<128x128xi32>
    %and3A_30 = arith.andi %squeeze3A, %and3A_29 : vector<128x128xi32>
    %bitcast_convert_type3A_31 = tpu.bitcast %and3A_30 : vector<128x128xi32> -> vector<128x128xf32>
    %shift_left3A = arith.constant 16 : i32
    %shift_left3A_32 = vector.broadcast %shift_left3A : i32 to vector<128x128xi32>
    %shift_left3A_33 = arith.shli %squeeze3A, %shift_left3A_32 : vector<128x128xi32>
    %bitcast_convert_type3A_34 = tpu.bitcast %shift_left3A_33 : vector<128x128xi32> -> vector<128x128xf32>
    %slice3A_35 = vector.extract_strided_slice %get3A_28 {offsets = [0, 0, 0], sizes = [1, 1, 128], strides = [1, 1, 1]} : vector<1x26x128xf32> to vector<1x1x128xf32>
    %squeeze3A_36 = vector.shape_cast %slice3A_35 : vector<1x1x128xf32> to vector<128xf32>
    %broadcast_in_dim3A = vector.shape_cast %squeeze3A_36 : vector<128xf32> to vector<128x1xf32>
    %gt3A = arith.constant 5.000000e-01 : f32
    %gt3A_37 = vector.broadcast %gt3A : f32 to vector<128x1xf32>
    %gt3A_38 = arith.cmpf ogt, %broadcast_in_dim3A, %gt3A_37 : vector<128x1xf32>
    %broadcast_in_dim3A_39 = vector.shape_cast %gt3A_38 : vector<128x1xi1> to vector<128x1xi1>
    %broadcast_in_dim3A_40 = vector.broadcast %broadcast_in_dim3A_39 : vector<128x1xi1> to vector<128x128xi1>
    %select_n3A = arith.select %broadcast_in_dim3A_40, %bitcast_convert_type3A_34, %bitcast_convert_type3A_31 : vector<128x128xi1>, vector<128x128xf32>
    %slice3A_41 = vector.extract_strided_slice %select_n3A {offsets = [0, 0], sizes = [128, 64], strides = [1, 1]} : vector<128x128xf32> to vector<128x64xf32>
    %add3A_42 = arith.addf %add3A_19, %slice3A_41 : vector<128x64xf32>
    %slice3A_43 = vector.extract_strided_slice %bitcast_convert_type3A {offsets = [0, 1, 0, 0], sizes = [1, 1, 128, 128], strides = [1, 1, 1, 1]} : vector<1x26x128x128xi32> to vector<1x1x128x128xi32>
    %squeeze3A_44 = vector.shape_cast %slice3A_43 : vector<1x1x128x128xi32> to vector<128x128xi32>
    %and3A_45 = arith.constant -65536 : i32
    %and3A_46 = vector.broadcast %and3A_45 : i32 to vector<128x128xi32>
    %and3A_47 = arith.andi %squeeze3A_44, %and3A_46 : vector<128x128xi32>
    %bitcast_convert_type3A_48 = tpu.bitcast %and3A_47 : vector<128x128xi32> -> vector<128x128xf32>
    %shift_left3A_49 = arith.constant 16 : i32
    %shift_left3A_50 = vector.broadcast %shift_left3A_49 : i32 to vector<128x128xi32>
    %shift_left3A_51 = arith.shli %squeeze3A_44, %shift_left3A_50 : vector<128x128xi32>
    %bitcast_convert_type3A_52 = tpu.bitcast %shift_left3A_51 : vector<128x128xi32> -> vector<128x128xf32>
    %slice3A_53 = vector.extract_strided_slice %get3A_28 {offsets = [0, 1, 0], sizes = [1, 1, 128], strides = [1, 1, 1]} : vector<1x26x128xf32> to vector<1x1x128xf32>
    %squeeze3A_54 = vector.shape_cast %slice3A_53 : vector<1x1x128xf32> to vector<128xf32>
    %broadcast_in_dim3A_55 = vector.shape_cast %squeeze3A_54 : vector<128xf32> to vector<128x1xf32>
    %gt3A_56 = arith.constant 5.000000e-01 : f32
    %gt3A_57 = vector.broadcast %gt3A_56 : f32 to vector<128x1xf32>
    %gt3A_58 = arith.cmpf ogt, %broadcast_in_dim3A_55, %gt3A_57 : vector<128x1xf32>
    %broadcast_in_dim3A_59 = vector.shape_cast %gt3A_58 : vector<128x1xi1> to vector<128x1xi1>
    %broadcast_in_dim3A_60 = vector.broadcast %broadcast_in_dim3A_59 : vector<128x1xi1> to vector<128x128xi1>
    %select_n3A_61 = arith.select %broadcast_in_dim3A_60, %bitcast_convert_type3A_52, %bitcast_convert_type3A_48 : vector<128x128xi1>, vector<128x128xf32>
    %slice3A_62 = vector.extract_strided_slice %select_n3A_61 {offsets = [0, 64], sizes = [128, 64], strides = [1, 1]} : vector<128x128xf32> to vector<128x64xf32>
    %add3A_63 = arith.addf %add3A_42, %slice3A_62 : vector<128x64xf32>
    %slice3A_64 = vector.extract_strided_slice %bitcast_convert_type3A {offsets = [0, 2, 0, 0], sizes = [1, 1, 128, 128], strides = [1, 1, 1, 1]} : vector<1x26x128x128xi32> to vector<1x1x128x128xi32>
    %squeeze3A_65 = vector.shape_cast %slice3A_64 : vector<1x1x128x128xi32> to vector<128x128xi32>
    %and3A_66 = arith.constant -65536 : i32
    %and3A_67 = vector.broadcast %and3A_66 : i32 to vector<128x128xi32>
    %and3A_68 = arith.andi %squeeze3A_65, %and3A_67 : vector<128x128xi32>
    %bitcast_convert_type3A_69 = tpu.bitcast %and3A_68 : vector<128x128xi32> -> vector<128x128xf32>
    %shift_left3A_70 = arith.constant 16 : i32
    %shift_left3A_71 = vector.broadcast %shift_left3A_70 : i32 to vector<128x128xi32>
    %shift_left3A_72 = arith.shli %squeeze3A_65, %shift_left3A_71 : vector<128x128xi32>
    %bitcast_convert_type3A_73 = tpu.bitcast %shift_left3A_72 : vector<128x128xi32> -> vector<128x128xf32>
    %slice3A_74 = vector.extract_strided_slice %get3A_28 {offsets = [0, 2, 0], sizes = [1, 1, 128], strides = [1, 1, 1]} : vector<1x26x128xf32> to vector<1x1x128xf32>
    %squeeze3A_75 = vector.shape_cast %slice3A_74 : vector<1x1x128xf32> to vector<128xf32>
    %broadcast_in_dim3A_76 = vector.shape_cast %squeeze3A_75 : vector<128xf32> to vector<128x1xf32>
    %gt3A_77 = arith.constant 5.000000e-01 : f32
    %gt3A_78 = vector.broadcast %gt3A_77 : f32 to vector<128x1xf32>
    %gt3A_79 = arith.cmpf ogt, %broadcast_in_dim3A_76, %gt3A_78 : vector<128x1xf32>
    %broadcast_in_dim3A_80 = vector.shape_cast %gt3A_79 : vector<128x1xi1> to vector<128x1xi1>
    %broadcast_in_dim3A_81 = vector.broadcast %broadcast_in_dim3A_80 : vector<128x1xi1> to vector<128x128xi1>
    %select_n3A_82 = arith.select %broadcast_in_dim3A_81, %bitcast_convert_type3A_73, %bitcast_convert_type3A_69 : vector<128x128xi1>, vector<128x128xf32>
    %slice3A_83 = vector.extract_strided_slice %select_n3A_82 {offsets = [0, 0], sizes = [128, 64], strides = [1, 1]} : vector<128x128xf32> to vector<128x64xf32>
    %add3A_84 = arith.addf %add3A_63, %slice3A_83 : vector<128x64xf32>
    %slice3A_85 = vector.extract_strided_slice %bitcast_convert_type3A {offsets = [0, 3, 0, 0], sizes = [1, 1, 128, 128], strides = [1, 1, 1, 1]} : vector<1x26x128x128xi32> to vector<1x1x128x128xi32>
    %squeeze3A_86 = vector.shape_cast %slice3A_85 : vector<1x1x128x128xi32> to vector<128x128xi32>
    %and3A_87 = arith.constant -65536 : i32
    %and3A_88 = vector.broadcast %and3A_87 : i32 to vector<128x128xi32>
    %and3A_89 = arith.andi %squeeze3A_86, %and3A_88 : vector<128x128xi32>
    %bitcast_convert_type3A_90 = tpu.bitcast %and3A_89 : vector<128x128xi32> -> vector<128x128xf32>
    %shift_left3A_91 = arith.constant 16 : i32
    %shift_left3A_92 = vector.broadcast %shift_left3A_91 : i32 to vector<128x128xi32>
    %shift_left3A_93 = arith.shli %squeeze3A_86, %shift_left3A_92 : vector<128x128xi32>
    %bitcast_convert_type3A_94 = tpu.bitcast %shift_left3A_93 : vector<128x128xi32> -> vector<128x128xf32>
    %slice3A_95 = vector.extract_strided_slice %get3A_28 {offsets = [0, 3, 0], sizes = [1, 1, 128], strides = [1, 1, 1]} : vector<1x26x128xf32> to vector<1x1x128xf32>
    %squeeze3A_96 = vector.shape_cast %slice3A_95 : vector<1x1x128xf32> to vector<128xf32>
    %broadcast_in_dim3A_97 = vector.shape_cast %squeeze3A_96 : vector<128xf32> to vector<128x1xf32>
    %gt3A_98 = arith.constant 5.000000e-01 : f32
    %gt3A_99 = vector.broadcast %gt3A_98 : f32 to vector<128x1xf32>
    %gt3A_100 = arith.cmpf ogt, %broadcast_in_dim3A_97, %gt3A_99 : vector<128x1xf32>
    %broadcast_in_dim3A_101 = vector.shape_cast %gt3A_100 : vector<128x1xi1> to vector<128x1xi1>
    %broadcast_in_dim3A_102 = vector.broadcast %broadcast_in_dim3A_101 : vector<128x1xi1> to vector<128x128xi1>
    %select_n3A_103 = arith.select %broadcast_in_dim3A_102, %bitcast_convert_type3A_94, %bitcast_convert_type3A_90 : vector<128x128xi1>, vector<128x128xf32>
    %slice3A_104 = vector.extract_strided_slice %select_n3A_103 {offsets = [0, 64], sizes = [128, 64], strides = [1, 1]} : vector<128x128xf32> to vector<128x64xf32>
    %add3A_105 = arith.addf %add3A_84, %slice3A_104 : vector<128x64xf32>
    %slice3A_106 = vector.extract_strided_slice %bitcast_convert_type3A {offsets = [0, 4, 0, 0], sizes = [1, 1, 128, 128], strides = [1, 1, 1, 1]} : vector<1x26x128x128xi32> to vector<1x1x128x128xi32>
    %squeeze3A_107 = vector.shape_cast %slice3A_106 : vector<1x1x128x128xi32> to vector<128x128xi32>
    %and3A_108 = arith.constant -65536 : i32
    %and3A_109 = vector.broadcast %and3A_108 : i32 to vector<128x128xi32>
    %and3A_110 = arith.andi %squeeze3A_107, %and3A_109 : vector<128x128xi32>
    %bitcast_convert_type3A_111 = tpu.bitcast %and3A_110 : vector<128x128xi32> -> vector<128x128xf32>
    %shift_left3A_112 = arith.constant 16 : i32
    %shift_left3A_113 = vector.broadcast %shift_left3A_112 : i32 to vector<128x128xi32>
    %shift_left3A_114 = arith.shli %squeeze3A_107, %shift_left3A_113 : vector<128x128xi32>
    %bitcast_convert_type3A_115 = tpu.bitcast %shift_left3A_114 : vector<128x128xi32> -> vector<128x128xf32>
    %slice3A_116 = vector.extract_strided_slice %get3A_28 {offsets = [0, 4, 0], sizes = [1, 1, 128], strides = [1, 1, 1]} : vector<1x26x128xf32> to vector<1x1x128xf32>
    %squeeze3A_117 = vector.shape_cast %slice3A_116 : vector<1x1x128xf32> to vector<128xf32>
    %broadcast_in_dim3A_118 = vector.shape_cast %squeeze3A_117 : vector<128xf32> to vector<128x1xf32>
    %gt3A_119 = arith.constant 5.000000e-01 : f32
    %gt3A_120 = vector.broadcast %gt3A_119 : f32 to vector<128x1xf32>
    %gt3A_121 = arith.cmpf ogt, %broadcast_in_dim3A_118, %gt3A_120 : vector<128x1xf32>
    %broadcast_in_dim3A_122 = vector.shape_cast %gt3A_121 : vector<128x1xi1> to vector<128x1xi1>
    %broadcast_in_dim3A_123 = vector.broadcast %broadcast_in_dim3A_122 : vector<128x1xi1> to vector<128x128xi1>
    %select_n3A_124 = arith.select %broadcast_in_dim3A_123, %bitcast_convert_type3A_115, %bitcast_convert_type3A_111 : vector<128x128xi1>, vector<128x128xf32>
    %slice3A_125 = vector.extract_strided_slice %select_n3A_124 {offsets = [0, 0], sizes = [128, 64], strides = [1, 1]} : vector<128x128xf32> to vector<128x64xf32>
    %add3A_126 = arith.addf %add3A_105, %slice3A_125 : vector<128x64xf32>
    %slice3A_127 = vector.extract_strided_slice %bitcast_convert_type3A {offsets = [0, 5, 0, 0], sizes = [1, 1, 128, 128], strides = [1, 1, 1, 1]} : vector<1x26x128x128xi32> to vector<1x1x128x128xi32>
    %squeeze3A_128 = vector.shape_cast %slice3A_127 : vector<1x1x128x128xi32> to vector<128x128xi32>
    %and3A_129 = arith.constant -65536 : i32
    %and3A_130 = vector.broadcast %and3A_129 : i32 to vector<128x128xi32>
    %and3A_131 = arith.andi %squeeze3A_128, %and3A_130 : vector<128x128xi32>
    %bitcast_convert_type3A_132 = tpu.bitcast %and3A_131 : vector<128x128xi32> -> vector<128x128xf32>
    %shift_left3A_133 = arith.constant 16 : i32
    %shift_left3A_134 = vector.broadcast %shift_left3A_133 : i32 to vector<128x128xi32>
    %shift_left3A_135 = arith.shli %squeeze3A_128, %shift_left3A_134 : vector<128x128xi32>
    %bitcast_convert_type3A_136 = tpu.bitcast %shift_left3A_135 : vector<128x128xi32> -> vector<128x128xf32>
    %slice3A_137 = vector.extract_strided_slice %get3A_28 {offsets = [0, 5, 0], sizes = [1, 1, 128], strides = [1, 1, 1]} : vector<1x26x128xf32> to vector<1x1x128xf32>
    %squeeze3A_138 = vector.shape_cast %slice3A_137 : vector<1x1x128xf32> to vector<128xf32>
    %broadcast_in_dim3A_139 = vector.shape_cast %squeeze3A_138 : vector<128xf32> to vector<128x1xf32>
    %gt3A_140 = arith.constant 5.000000e-01 : f32
    %gt3A_141 = vector.broadcast %gt3A_140 : f32 to vector<128x1xf32>
    %gt3A_142 = arith.cmpf ogt, %broadcast_in_dim3A_139, %gt3A_141 : vector<128x1xf32>
    %broadcast_in_dim3A_143 = vector.shape_cast %gt3A_142 : vector<128x1xi1> to vector<128x1xi1>
    %broadcast_in_dim3A_144 = vector.broadcast %broadcast_in_dim3A_143 : vector<128x1xi1> to vector<128x128xi1>
    %select_n3A_145 = arith.select %broadcast_in_dim3A_144, %bitcast_convert_type3A_136, %bitcast_convert_type3A_132 : vector<128x128xi1>, vector<128x128xf32>
    %slice3A_146 = vector.extract_strided_slice %select_n3A_145 {offsets = [0, 64], sizes = [128, 64], strides = [1, 1]} : vector<128x128xf32> to vector<128x64xf32>
    %add3A_147 = arith.addf %add3A_126, %slice3A_146 : vector<128x64xf32>
    %slice3A_148 = vector.extract_strided_slice %bitcast_convert_type3A {offsets = [0, 6, 0, 0], sizes = [1, 1, 128, 128], strides = [1, 1, 1, 1]} : vector<1x26x128x128xi32> to vector<1x1x128x128xi32>
    %squeeze3A_149 = vector.shape_cast %slice3A_148 : vector<1x1x128x128xi32> to vector<128x128xi32>
    %and3A_150 = arith.constant -65536 : i32
    %and3A_151 = vector.broadcast %and3A_150 : i32 to vector<128x128xi32>
    %and3A_152 = arith.andi %squeeze3A_149, %and3A_151 : vector<128x128xi32>
    %bitcast_convert_type3A_153 = tpu.bitcast %and3A_152 : vector<128x128xi32> -> vector<128x128xf32>
    %shift_left3A_154 = arith.constant 16 : i32
    %shift_left3A_155 = vector.broadcast %shift_left3A_154 : i32 to vector<128x128xi32>
    %shift_left3A_156 = arith.shli %squeeze3A_149, %shift_left3A_155 : vector<128x128xi32>
    %bitcast_convert_type3A_157 = tpu.bitcast %shift_left3A_156 : vector<128x128xi32> -> vector<128x128xf32>
    %slice3A_158 = vector.extract_strided_slice %get3A_28 {offsets = [0, 6, 0], sizes = [1, 1, 128], strides = [1, 1, 1]} : vector<1x26x128xf32> to vector<1x1x128xf32>
    %squeeze3A_159 = vector.shape_cast %slice3A_158 : vector<1x1x128xf32> to vector<128xf32>
    %broadcast_in_dim3A_160 = vector.shape_cast %squeeze3A_159 : vector<128xf32> to vector<128x1xf32>
    %gt3A_161 = arith.constant 5.000000e-01 : f32
    %gt3A_162 = vector.broadcast %gt3A_161 : f32 to vector<128x1xf32>
    %gt3A_163 = arith.cmpf ogt, %broadcast_in_dim3A_160, %gt3A_162 : vector<128x1xf32>
    %broadcast_in_dim3A_164 = vector.shape_cast %gt3A_163 : vector<128x1xi1> to vector<128x1xi1>
    %broadcast_in_dim3A_165 = vector.broadcast %broadcast_in_dim3A_164 : vector<128x1xi1> to vector<128x128xi1>
    %select_n3A_166 = arith.select %broadcast_in_dim3A_165, %bitcast_convert_type3A_157, %bitcast_convert_type3A_153 : vector<128x128xi1>, vector<128x128xf32>
    %slice3A_167 = vector.extract_strided_slice %select_n3A_166 {offsets = [0, 0], sizes = [128, 64], strides = [1, 1]} : vector<128x128xf32> to vector<128x64xf32>
    %add3A_168 = arith.addf %add3A_147, %slice3A_167 : vector<128x64xf32>
    %slice3A_169 = vector.extract_strided_slice %bitcast_convert_type3A {offsets = [0, 7, 0, 0], sizes = [1, 1, 128, 128], strides = [1, 1, 1, 1]} : vector<1x26x128x128xi32> to vector<1x1x128x128xi32>
    %squeeze3A_170 = vector.shape_cast %slice3A_169 : vector<1x1x128x128xi32> to vector<128x128xi32>
    %and3A_171 = arith.constant -65536 : i32
    %and3A_172 = vector.broadcast %and3A_171 : i32 to vector<128x128xi32>
    %and3A_173 = arith.andi %squeeze3A_170, %and3A_172 : vector<128x128xi32>
    %bitcast_convert_type3A_174 = tpu.bitcast %and3A_173 : vector<128x128xi32> -> vector<128x128xf32>
    %shift_left3A_175 = arith.constant 16 : i32
    %shift_left3A_176 = vector.broadcast %shift_left3A_175 : i32 to vector<128x128xi32>
    %shift_left3A_177 = arith.shli %squeeze3A_170, %shift_left3A_176 : vector<128x128xi32>
    %bitcast_convert_type3A_178 = tpu.bitcast %shift_left3A_177 : vector<128x128xi32> -> vector<128x128xf32>
    %slice3A_179 = vector.extract_strided_slice %get3A_28 {offsets = [0, 7, 0], sizes = [1, 1, 128], strides = [1, 1, 1]} : vector<1x26x128xf32> to vector<1x1x128xf32>
    %squeeze3A_180 = vector.shape_cast %slice3A_179 : vector<1x1x128xf32> to vector<128xf32>
    %broadcast_in_dim3A_181 = vector.shape_cast %squeeze3A_180 : vector<128xf32> to vector<128x1xf32>
    %gt3A_182 = arith.constant 5.000000e-01 : f32
    %gt3A_183 = vector.broadcast %gt3A_182 : f32 to vector<128x1xf32>
    %gt3A_184 = arith.cmpf ogt, %broadcast_in_dim3A_181, %gt3A_183 : vector<128x1xf32>
    %broadcast_in_dim3A_185 = vector.shape_cast %gt3A_184 : vector<128x1xi1> to vector<128x1xi1>
    %broadcast_in_dim3A_186 = vector.broadcast %broadcast_in_dim3A_185 : vector<128x1xi1> to vector<128x128xi1>
    %select_n3A_187 = arith.select %broadcast_in_dim3A_186, %bitcast_convert_type3A_178, %bitcast_convert_type3A_174 : vector<128x128xi1>, vector<128x128xf32>
    %slice3A_188 = vector.extract_strided_slice %select_n3A_187 {offsets = [0, 64], sizes = [128, 64], strides = [1, 1]} : vector<128x128xf32> to vector<128x64xf32>
    %add3A_189 = arith.addf %add3A_168, %slice3A_188 : vector<128x64xf32>
    %slice3A_190 = vector.extract_strided_slice %bitcast_convert_type3A {offsets = [0, 8, 0, 0], sizes = [1, 1, 128, 128], strides = [1, 1, 1, 1]} : vector<1x26x128x128xi32> to vector<1x1x128x128xi32>
    %squeeze3A_191 = vector.shape_cast %slice3A_190 : vector<1x1x128x128xi32> to vector<128x128xi32>
    %and3A_192 = arith.constant -65536 : i32
    %and3A_193 = vector.broadcast %and3A_192 : i32 to vector<128x128xi32>
    %and3A_194 = arith.andi %squeeze3A_191, %and3A_193 : vector<128x128xi32>
    %bitcast_convert_type3A_195 = tpu.bitcast %and3A_194 : vector<128x128xi32> -> vector<128x128xf32>
    %shift_left3A_196 = arith.constant 16 : i32
    %shift_left3A_197 = vector.broadcast %shift_left3A_196 : i32 to vector<128x128xi32>
    %shift_left3A_198 = arith.shli %squeeze3A_191, %shift_left3A_197 : vector<128x128xi32>
    %bitcast_convert_type3A_199 = tpu.bitcast %shift_left3A_198 : vector<128x128xi32> -> vector<128x128xf32>
    %slice3A_200 = vector.extract_strided_slice %get3A_28 {offsets = [0, 8, 0], sizes = [1, 1, 128], strides = [1, 1, 1]} : vector<1x26x128xf32> to vector<1x1x128xf32>
    %squeeze3A_201 = vector.shape_cast %slice3A_200 : vector<1x1x128xf32> to vector<128xf32>
    %broadcast_in_dim3A_202 = vector.shape_cast %squeeze3A_201 : vector<128xf32> to vector<128x1xf32>
    %gt3A_203 = arith.constant 5.000000e-01 : f32
    %gt3A_204 = vector.broadcast %gt3A_203 : f32 to vector<128x1xf32>
    %gt3A_205 = arith.cmpf ogt, %broadcast_in_dim3A_202, %gt3A_204 : vector<128x1xf32>
    %broadcast_in_dim3A_206 = vector.shape_cast %gt3A_205 : vector<128x1xi1> to vector<128x1xi1>
    %broadcast_in_dim3A_207 = vector.broadcast %broadcast_in_dim3A_206 : vector<128x1xi1> to vector<128x128xi1>
    %select_n3A_208 = arith.select %broadcast_in_dim3A_207, %bitcast_convert_type3A_199, %bitcast_convert_type3A_195 : vector<128x128xi1>, vector<128x128xf32>
    %slice3A_209 = vector.extract_strided_slice %select_n3A_208 {offsets = [0, 0], sizes = [128, 64], strides = [1, 1]} : vector<128x128xf32> to vector<128x64xf32>
    %add3A_210 = arith.addf %add3A_189, %slice3A_209 : vector<128x64xf32>
    %slice3A_211 = vector.extract_strided_slice %bitcast_convert_type3A {offsets = [0, 9, 0, 0], sizes = [1, 1, 128, 128], strides = [1, 1, 1, 1]} : vector<1x26x128x128xi32> to vector<1x1x128x128xi32>
    %squeeze3A_212 = vector.shape_cast %slice3A_211 : vector<1x1x128x128xi32> to vector<128x128xi32>
    %and3A_213 = arith.constant -65536 : i32
    %and3A_214 = vector.broadcast %and3A_213 : i32 to vector<128x128xi32>
    %and3A_215 = arith.andi %squeeze3A_212, %and3A_214 : vector<128x128xi32>
    %bitcast_convert_type3A_216 = tpu.bitcast %and3A_215 : vector<128x128xi32> -> vector<128x128xf32>
    %shift_left3A_217 = arith.constant 16 : i32
    %shift_left3A_218 = vector.broadcast %shift_left3A_217 : i32 to vector<128x128xi32>
    %shift_left3A_219 = arith.shli %squeeze3A_212, %shift_left3A_218 : vector<128x128xi32>
    %bitcast_convert_type3A_220 = tpu.bitcast %shift_left3A_219 : vector<128x128xi32> -> vector<128x128xf32>
    %slice3A_221 = vector.extract_strided_slice %get3A_28 {offsets = [0, 9, 0], sizes = [1, 1, 128], strides = [1, 1, 1]} : vector<1x26x128xf32> to vector<1x1x128xf32>
    %squeeze3A_222 = vector.shape_cast %slice3A_221 : vector<1x1x128xf32> to vector<128xf32>
    %broadcast_in_dim3A_223 = vector.shape_cast %squeeze3A_222 : vector<128xf32> to vector<128x1xf32>
    %gt3A_224 = arith.constant 5.000000e-01 : f32
    %gt3A_225 = vector.broadcast %gt3A_224 : f32 to vector<128x1xf32>
    %gt3A_226 = arith.cmpf ogt, %broadcast_in_dim3A_223, %gt3A_225 : vector<128x1xf32>
    %broadcast_in_dim3A_227 = vector.shape_cast %gt3A_226 : vector<128x1xi1> to vector<128x1xi1>
    %broadcast_in_dim3A_228 = vector.broadcast %broadcast_in_dim3A_227 : vector<128x1xi1> to vector<128x128xi1>
    %select_n3A_229 = arith.select %broadcast_in_dim3A_228, %bitcast_convert_type3A_220, %bitcast_convert_type3A_216 : vector<128x128xi1>, vector<128x128xf32>
    %slice3A_230 = vector.extract_strided_slice %select_n3A_229 {offsets = [0, 64], sizes = [128, 64], strides = [1, 1]} : vector<128x128xf32> to vector<128x64xf32>
    %add3A_231 = arith.addf %add3A_210, %slice3A_230 : vector<128x64xf32>
    %slice3A_232 = vector.extract_strided_slice %bitcast_convert_type3A {offsets = [0, 10, 0, 0], sizes = [1, 1, 128, 128], strides = [1, 1, 1, 1]} : vector<1x26x128x128xi32> to vector<1x1x128x128xi32>
    %squeeze3A_233 = vector.shape_cast %slice3A_232 : vector<1x1x128x128xi32> to vector<128x128xi32>
    %and3A_234 = arith.constant -65536 : i32
    %and3A_235 = vector.broadcast %and3A_234 : i32 to vector<128x128xi32>
    %and3A_236 = arith.andi %squeeze3A_233, %and3A_235 : vector<128x128xi32>
    %bitcast_convert_type3A_237 = tpu.bitcast %and3A_236 : vector<128x128xi32> -> vector<128x128xf32>
    %shift_left3A_238 = arith.constant 16 : i32
    %shift_left3A_239 = vector.broadcast %shift_left3A_238 : i32 to vector<128x128xi32>
    %shift_left3A_240 = arith.shli %squeeze3A_233, %shift_left3A_239 : vector<128x128xi32>
    %bitcast_convert_type3A_241 = tpu.bitcast %shift_left3A_240 : vector<128x128xi32> -> vector<128x128xf32>
    %slice3A_242 = vector.extract_strided_slice %get3A_28 {offsets = [0, 10, 0], sizes = [1, 1, 128], strides = [1, 1, 1]} : vector<1x26x128xf32> to vector<1x1x128xf32>
    %squeeze3A_243 = vector.shape_cast %slice3A_242 : vector<1x1x128xf32> to vector<128xf32>
    %broadcast_in_dim3A_244 = vector.shape_cast %squeeze3A_243 : vector<128xf32> to vector<128x1xf32>
    %gt3A_245 = arith.constant 5.000000e-01 : f32
    %gt3A_246 = vector.broadcast %gt3A_245 : f32 to vector<128x1xf32>
    %gt3A_247 = arith.cmpf ogt, %broadcast_in_dim3A_244, %gt3A_246 : vector<128x1xf32>
    %broadcast_in_dim3A_248 = vector.shape_cast %gt3A_247 : vector<128x1xi1> to vector<128x1xi1>
    %broadcast_in_dim3A_249 = vector.broadcast %broadcast_in_dim3A_248 : vector<128x1xi1> to vector<128x128xi1>
    %select_n3A_250 = arith.select %broadcast_in_dim3A_249, %bitcast_convert_type3A_241, %bitcast_convert_type3A_237 : vector<128x128xi1>, vector<128x128xf32>
    %slice3A_251 = vector.extract_strided_slice %select_n3A_250 {offsets = [0, 0], sizes = [128, 64], strides = [1, 1]} : vector<128x128xf32> to vector<128x64xf32>
    %add3A_252 = arith.addf %add3A_231, %slice3A_251 : vector<128x64xf32>
    %slice3A_253 = vector.extract_strided_slice %bitcast_convert_type3A {offsets = [0, 11, 0, 0], sizes = [1, 1, 128, 128], strides = [1, 1, 1, 1]} : vector<1x26x128x128xi32> to vector<1x1x128x128xi32>
    %squeeze3A_254 = vector.shape_cast %slice3A_253 : vector<1x1x128x128xi32> to vector<128x128xi32>
    %and3A_255 = arith.constant -65536 : i32
    %and3A_256 = vector.broadcast %and3A_255 : i32 to vector<128x128xi32>
    %and3A_257 = arith.andi %squeeze3A_254, %and3A_256 : vector<128x128xi32>
    %bitcast_convert_type3A_258 = tpu.bitcast %and3A_257 : vector<128x128xi32> -> vector<128x128xf32>
    %shift_left3A_259 = arith.constant 16 : i32
    %shift_left3A_260 = vector.broadcast %shift_left3A_259 : i32 to vector<128x128xi32>
    %shift_left3A_261 = arith.shli %squeeze3A_254, %shift_left3A_260 : vector<128x128xi32>
    %bitcast_convert_type3A_262 = tpu.bitcast %shift_left3A_261 : vector<128x128xi32> -> vector<128x128xf32>
    %slice3A_263 = vector.extract_strided_slice %get3A_28 {offsets = [0, 11, 0], sizes = [1, 1, 128], strides = [1, 1, 1]} : vector<1x26x128xf32> to vector<1x1x128xf32>
    %squeeze3A_264 = vector.shape_cast %slice3A_263 : vector<1x1x128xf32> to vector<128xf32>
    %broadcast_in_dim3A_265 = vector.shape_cast %squeeze3A_264 : vector<128xf32> to vector<128x1xf32>
    %gt3A_266 = arith.constant 5.000000e-01 : f32
    %gt3A_267 = vector.broadcast %gt3A_266 : f32 to vector<128x1xf32>
    %gt3A_268 = arith.cmpf ogt, %broadcast_in_dim3A_265, %gt3A_267 : vector<128x1xf32>
    %broadcast_in_dim3A_269 = vector.shape_cast %gt3A_268 : vector<128x1xi1> to vector<128x1xi1>
    %broadcast_in_dim3A_270 = vector.broadcast %broadcast_in_dim3A_269 : vector<128x1xi1> to vector<128x128xi1>
    %select_n3A_271 = arith.select %broadcast_in_dim3A_270, %bitcast_convert_type3A_262, %bitcast_convert_type3A_258 : vector<128x128xi1>, vector<128x128xf32>
    %slice3A_272 = vector.extract_strided_slice %select_n3A_271 {offsets = [0, 64], sizes = [128, 64], strides = [1, 1]} : vector<128x128xf32> to vector<128x64xf32>
    %add3A_273 = arith.addf %add3A_252, %slice3A_272 : vector<128x64xf32>
    %slice3A_274 = vector.extract_strided_slice %bitcast_convert_type3A {offsets = [0, 12, 0, 0], sizes = [1, 1, 128, 128], strides = [1, 1, 1, 1]} : vector<1x26x128x128xi32> to vector<1x1x128x128xi32>
    %squeeze3A_275 = vector.shape_cast %slice3A_274 : vector<1x1x128x128xi32> to vector<128x128xi32>
    %and3A_276 = arith.constant -65536 : i32
    %and3A_277 = vector.broadcast %and3A_276 : i32 to vector<128x128xi32>
    %and3A_278 = arith.andi %squeeze3A_275, %and3A_277 : vector<128x128xi32>
    %bitcast_convert_type3A_279 = tpu.bitcast %and3A_278 : vector<128x128xi32> -> vector<128x128xf32>
    %shift_left3A_280 = arith.constant 16 : i32
    %shift_left3A_281 = vector.broadcast %shift_left3A_280 : i32 to vector<128x128xi32>
    %shift_left3A_282 = arith.shli %squeeze3A_275, %shift_left3A_281 : vector<128x128xi32>
    %bitcast_convert_type3A_283 = tpu.bitcast %shift_left3A_282 : vector<128x128xi32> -> vector<128x128xf32>
    %slice3A_284 = vector.extract_strided_slice %get3A_28 {offsets = [0, 12, 0], sizes = [1, 1, 128], strides = [1, 1, 1]} : vector<1x26x128xf32> to vector<1x1x128xf32>
    %squeeze3A_285 = vector.shape_cast %slice3A_284 : vector<1x1x128xf32> to vector<128xf32>
    %broadcast_in_dim3A_286 = vector.shape_cast %squeeze3A_285 : vector<128xf32> to vector<128x1xf32>
    %gt3A_287 = arith.constant 5.000000e-01 : f32
    %gt3A_288 = vector.broadcast %gt3A_287 : f32 to vector<128x1xf32>
    %gt3A_289 = arith.cmpf ogt, %broadcast_in_dim3A_286, %gt3A_288 : vector<128x1xf32>
    %broadcast_in_dim3A_290 = vector.shape_cast %gt3A_289 : vector<128x1xi1> to vector<128x1xi1>
    %broadcast_in_dim3A_291 = vector.broadcast %broadcast_in_dim3A_290 : vector<128x1xi1> to vector<128x128xi1>
    %select_n3A_292 = arith.select %broadcast_in_dim3A_291, %bitcast_convert_type3A_283, %bitcast_convert_type3A_279 : vector<128x128xi1>, vector<128x128xf32>
    %slice3A_293 = vector.extract_strided_slice %select_n3A_292 {offsets = [0, 0], sizes = [128, 64], strides = [1, 1]} : vector<128x128xf32> to vector<128x64xf32>
    %add3A_294 = arith.addf %add3A_273, %slice3A_293 : vector<128x64xf32>
    %slice3A_295 = vector.extract_strided_slice %bitcast_convert_type3A {offsets = [0, 13, 0, 0], sizes = [1, 1, 128, 128], strides = [1, 1, 1, 1]} : vector<1x26x128x128xi32> to vector<1x1x128x128xi32>
    %squeeze3A_296 = vector.shape_cast %slice3A_295 : vector<1x1x128x128xi32> to vector<128x128xi32>
    %and3A_297 = arith.constant -65536 : i32
    %and3A_298 = vector.broadcast %and3A_297 : i32 to vector<128x128xi32>
    %and3A_299 = arith.andi %squeeze3A_296, %and3A_298 : vector<128x128xi32>
    %bitcast_convert_type3A_300 = tpu.bitcast %and3A_299 : vector<128x128xi32> -> vector<128x128xf32>
    %shift_left3A_301 = arith.constant 16 : i32
    %shift_left3A_302 = vector.broadcast %shift_left3A_301 : i32 to vector<128x128xi32>
    %shift_left3A_303 = arith.shli %squeeze3A_296, %shift_left3A_302 : vector<128x128xi32>
    %bitcast_convert_type3A_304 = tpu.bitcast %shift_left3A_303 : vector<128x128xi32> -> vector<128x128xf32>
    %slice3A_305 = vector.extract_strided_slice %get3A_28 {offsets = [0, 13, 0], sizes = [1, 1, 128], strides = [1, 1, 1]} : vector<1x26x128xf32> to vector<1x1x128xf32>
    %squeeze3A_306 = vector.shape_cast %slice3A_305 : vector<1x1x128xf32> to vector<128xf32>
    %broadcast_in_dim3A_307 = vector.shape_cast %squeeze3A_306 : vector<128xf32> to vector<128x1xf32>
    %gt3A_308 = arith.constant 5.000000e-01 : f32
    %gt3A_309 = vector.broadcast %gt3A_308 : f32 to vector<128x1xf32>
    %gt3A_310 = arith.cmpf ogt, %broadcast_in_dim3A_307, %gt3A_309 : vector<128x1xf32>
    %broadcast_in_dim3A_311 = vector.shape_cast %gt3A_310 : vector<128x1xi1> to vector<128x1xi1>
    %broadcast_in_dim3A_312 = vector.broadcast %broadcast_in_dim3A_311 : vector<128x1xi1> to vector<128x128xi1>
    %select_n3A_313 = arith.select %broadcast_in_dim3A_312, %bitcast_convert_type3A_304, %bitcast_convert_type3A_300 : vector<128x128xi1>, vector<128x128xf32>
    %slice3A_314 = vector.extract_strided_slice %select_n3A_313 {offsets = [0, 64], sizes = [128, 64], strides = [1, 1]} : vector<128x128xf32> to vector<128x64xf32>
    %add3A_315 = arith.addf %add3A_294, %slice3A_314 : vector<128x64xf32>
    %slice3A_316 = vector.extract_strided_slice %bitcast_convert_type3A {offsets = [0, 14, 0, 0], sizes = [1, 1, 128, 128], strides = [1, 1, 1, 1]} : vector<1x26x128x128xi32> to vector<1x1x128x128xi32>
    %squeeze3A_317 = vector.shape_cast %slice3A_316 : vector<1x1x128x128xi32> to vector<128x128xi32>
    %and3A_318 = arith.constant -65536 : i32
    %and3A_319 = vector.broadcast %and3A_318 : i32 to vector<128x128xi32>
    %and3A_320 = arith.andi %squeeze3A_317, %and3A_319 : vector<128x128xi32>
    %bitcast_convert_type3A_321 = tpu.bitcast %and3A_320 : vector<128x128xi32> -> vector<128x128xf32>
    %shift_left3A_322 = arith.constant 16 : i32
    %shift_left3A_323 = vector.broadcast %shift_left3A_322 : i32 to vector<128x128xi32>
    %shift_left3A_324 = arith.shli %squeeze3A_317, %shift_left3A_323 : vector<128x128xi32>
    %bitcast_convert_type3A_325 = tpu.bitcast %shift_left3A_324 : vector<128x128xi32> -> vector<128x128xf32>
    %slice3A_326 = vector.extract_strided_slice %get3A_28 {offsets = [0, 14, 0], sizes = [1, 1, 128], strides = [1, 1, 1]} : vector<1x26x128xf32> to vector<1x1x128xf32>
    %squeeze3A_327 = vector.shape_cast %slice3A_326 : vector<1x1x128xf32> to vector<128xf32>
    %broadcast_in_dim3A_328 = vector.shape_cast %squeeze3A_327 : vector<128xf32> to vector<128x1xf32>
    %gt3A_329 = arith.constant 5.000000e-01 : f32
    %gt3A_330 = vector.broadcast %gt3A_329 : f32 to vector<128x1xf32>
    %gt3A_331 = arith.cmpf ogt, %broadcast_in_dim3A_328, %gt3A_330 : vector<128x1xf32>
    %broadcast_in_dim3A_332 = vector.shape_cast %gt3A_331 : vector<128x1xi1> to vector<128x1xi1>
    %broadcast_in_dim3A_333 = vector.broadcast %broadcast_in_dim3A_332 : vector<128x1xi1> to vector<128x128xi1>
    %select_n3A_334 = arith.select %broadcast_in_dim3A_333, %bitcast_convert_type3A_325, %bitcast_convert_type3A_321 : vector<128x128xi1>, vector<128x128xf32>
    %slice3A_335 = vector.extract_strided_slice %select_n3A_334 {offsets = [0, 0], sizes = [128, 64], strides = [1, 1]} : vector<128x128xf32> to vector<128x64xf32>
    %add3A_336 = arith.addf %add3A_315, %slice3A_335 : vector<128x64xf32>
    %slice3A_337 = vector.extract_strided_slice %bitcast_convert_type3A {offsets = [0, 15, 0, 0], sizes = [1, 1, 128, 128], strides = [1, 1, 1, 1]} : vector<1x26x128x128xi32> to vector<1x1x128x128xi32>
    %squeeze3A_338 = vector.shape_cast %slice3A_337 : vector<1x1x128x128xi32> to vector<128x128xi32>
    %and3A_339 = arith.constant -65536 : i32
    %and3A_340 = vector.broadcast %and3A_339 : i32 to vector<128x128xi32>
    %and3A_341 = arith.andi %squeeze3A_338, %and3A_340 : vector<128x128xi32>
    %bitcast_convert_type3A_342 = tpu.bitcast %and3A_341 : vector<128x128xi32> -> vector<128x128xf32>
    %shift_left3A_343 = arith.constant 16 : i32
    %shift_left3A_344 = vector.broadcast %shift_left3A_343 : i32 to vector<128x128xi32>
    %shift_left3A_345 = arith.shli %squeeze3A_338, %shift_left3A_344 : vector<128x128xi32>
    %bitcast_convert_type3A_346 = tpu.bitcast %shift_left3A_345 : vector<128x128xi32> -> vector<128x128xf32>
    %slice3A_347 = vector.extract_strided_slice %get3A_28 {offsets = [0, 15, 0], sizes = [1, 1, 128], strides = [1, 1, 1]} : vector<1x26x128xf32> to vector<1x1x128xf32>
    %squeeze3A_348 = vector.shape_cast %slice3A_347 : vector<1x1x128xf32> to vector<128xf32>
    %broadcast_in_dim3A_349 = vector.shape_cast %squeeze3A_348 : vector<128xf32> to vector<128x1xf32>
    %gt3A_350 = arith.constant 5.000000e-01 : f32
    %gt3A_351 = vector.broadcast %gt3A_350 : f32 to vector<128x1xf32>
    %gt3A_352 = arith.cmpf ogt, %broadcast_in_dim3A_349, %gt3A_351 : vector<128x1xf32>
    %broadcast_in_dim3A_353 = vector.shape_cast %gt3A_352 : vector<128x1xi1> to vector<128x1xi1>
    %broadcast_in_dim3A_354 = vector.broadcast %broadcast_in_dim3A_353 : vector<128x1xi1> to vector<128x128xi1>
    %select_n3A_355 = arith.select %broadcast_in_dim3A_354, %bitcast_convert_type3A_346, %bitcast_convert_type3A_342 : vector<128x128xi1>, vector<128x128xf32>
    %slice3A_356 = vector.extract_strided_slice %select_n3A_355 {offsets = [0, 64], sizes = [128, 64], strides = [1, 1]} : vector<128x128xf32> to vector<128x64xf32>
    %add3A_357 = arith.addf %add3A_336, %slice3A_356 : vector<128x64xf32>
    %slice3A_358 = vector.extract_strided_slice %bitcast_convert_type3A {offsets = [0, 16, 0, 0], sizes = [1, 1, 128, 128], strides = [1, 1, 1, 1]} : vector<1x26x128x128xi32> to vector<1x1x128x128xi32>
    %squeeze3A_359 = vector.shape_cast %slice3A_358 : vector<1x1x128x128xi32> to vector<128x128xi32>
    %and3A_360 = arith.constant -65536 : i32
    %and3A_361 = vector.broadcast %and3A_360 : i32 to vector<128x128xi32>
    %and3A_362 = arith.andi %squeeze3A_359, %and3A_361 : vector<128x128xi32>
    %bitcast_convert_type3A_363 = tpu.bitcast %and3A_362 : vector<128x128xi32> -> vector<128x128xf32>
    %shift_left3A_364 = arith.constant 16 : i32
    %shift_left3A_365 = vector.broadcast %shift_left3A_364 : i32 to vector<128x128xi32>
    %shift_left3A_366 = arith.shli %squeeze3A_359, %shift_left3A_365 : vector<128x128xi32>
    %bitcast_convert_type3A_367 = tpu.bitcast %shift_left3A_366 : vector<128x128xi32> -> vector<128x128xf32>
    %slice3A_368 = vector.extract_strided_slice %get3A_28 {offsets = [0, 16, 0], sizes = [1, 1, 128], strides = [1, 1, 1]} : vector<1x26x128xf32> to vector<1x1x128xf32>
    %squeeze3A_369 = vector.shape_cast %slice3A_368 : vector<1x1x128xf32> to vector<128xf32>
    %broadcast_in_dim3A_370 = vector.shape_cast %squeeze3A_369 : vector<128xf32> to vector<128x1xf32>
    %gt3A_371 = arith.constant 5.000000e-01 : f32
    %gt3A_372 = vector.broadcast %gt3A_371 : f32 to vector<128x1xf32>
    %gt3A_373 = arith.cmpf ogt, %broadcast_in_dim3A_370, %gt3A_372 : vector<128x1xf32>
    %broadcast_in_dim3A_374 = vector.shape_cast %gt3A_373 : vector<128x1xi1> to vector<128x1xi1>
    %broadcast_in_dim3A_375 = vector.broadcast %broadcast_in_dim3A_374 : vector<128x1xi1> to vector<128x128xi1>
    %select_n3A_376 = arith.select %broadcast_in_dim3A_375, %bitcast_convert_type3A_367, %bitcast_convert_type3A_363 : vector<128x128xi1>, vector<128x128xf32>
    %slice3A_377 = vector.extract_strided_slice %select_n3A_376 {offsets = [0, 0], sizes = [128, 64], strides = [1, 1]} : vector<128x128xf32> to vector<128x64xf32>
    %add3A_378 = arith.addf %add3A_357, %slice3A_377 : vector<128x64xf32>
    %slice3A_379 = vector.extract_strided_slice %bitcast_convert_type3A {offsets = [0, 17, 0, 0], sizes = [1, 1, 128, 128], strides = [1, 1, 1, 1]} : vector<1x26x128x128xi32> to vector<1x1x128x128xi32>
    %squeeze3A_380 = vector.shape_cast %slice3A_379 : vector<1x1x128x128xi32> to vector<128x128xi32>
    %and3A_381 = arith.constant -65536 : i32
    %and3A_382 = vector.broadcast %and3A_381 : i32 to vector<128x128xi32>
    %and3A_383 = arith.andi %squeeze3A_380, %and3A_382 : vector<128x128xi32>
    %bitcast_convert_type3A_384 = tpu.bitcast %and3A_383 : vector<128x128xi32> -> vector<128x128xf32>
    %shift_left3A_385 = arith.constant 16 : i32
    %shift_left3A_386 = vector.broadcast %shift_left3A_385 : i32 to vector<128x128xi32>
    %shift_left3A_387 = arith.shli %squeeze3A_380, %shift_left3A_386 : vector<128x128xi32>
    %bitcast_convert_type3A_388 = tpu.bitcast %shift_left3A_387 : vector<128x128xi32> -> vector<128x128xf32>
    %slice3A_389 = vector.extract_strided_slice %get3A_28 {offsets = [0, 17, 0], sizes = [1, 1, 128], strides = [1, 1, 1]} : vector<1x26x128xf32> to vector<1x1x128xf32>
    %squeeze3A_390 = vector.shape_cast %slice3A_389 : vector<1x1x128xf32> to vector<128xf32>
    %broadcast_in_dim3A_391 = vector.shape_cast %squeeze3A_390 : vector<128xf32> to vector<128x1xf32>
    %gt3A_392 = arith.constant 5.000000e-01 : f32
    %gt3A_393 = vector.broadcast %gt3A_392 : f32 to vector<128x1xf32>
    %gt3A_394 = arith.cmpf ogt, %broadcast_in_dim3A_391, %gt3A_393 : vector<128x1xf32>
    %broadcast_in_dim3A_395 = vector.shape_cast %gt3A_394 : vector<128x1xi1> to vector<128x1xi1>
    %broadcast_in_dim3A_396 = vector.broadcast %broadcast_in_dim3A_395 : vector<128x1xi1> to vector<128x128xi1>
    %select_n3A_397 = arith.select %broadcast_in_dim3A_396, %bitcast_convert_type3A_388, %bitcast_convert_type3A_384 : vector<128x128xi1>, vector<128x128xf32>
    %slice3A_398 = vector.extract_strided_slice %select_n3A_397 {offsets = [0, 64], sizes = [128, 64], strides = [1, 1]} : vector<128x128xf32> to vector<128x64xf32>
    %add3A_399 = arith.addf %add3A_378, %slice3A_398 : vector<128x64xf32>
    %slice3A_400 = vector.extract_strided_slice %bitcast_convert_type3A {offsets = [0, 18, 0, 0], sizes = [1, 1, 128, 128], strides = [1, 1, 1, 1]} : vector<1x26x128x128xi32> to vector<1x1x128x128xi32>
    %squeeze3A_401 = vector.shape_cast %slice3A_400 : vector<1x1x128x128xi32> to vector<128x128xi32>
    %and3A_402 = arith.constant -65536 : i32
    %and3A_403 = vector.broadcast %and3A_402 : i32 to vector<128x128xi32>
    %and3A_404 = arith.andi %squeeze3A_401, %and3A_403 : vector<128x128xi32>
    %bitcast_convert_type3A_405 = tpu.bitcast %and3A_404 : vector<128x128xi32> -> vector<128x128xf32>
    %shift_left3A_406 = arith.constant 16 : i32
    %shift_left3A_407 = vector.broadcast %shift_left3A_406 : i32 to vector<128x128xi32>
    %shift_left3A_408 = arith.shli %squeeze3A_401, %shift_left3A_407 : vector<128x128xi32>
    %bitcast_convert_type3A_409 = tpu.bitcast %shift_left3A_408 : vector<128x128xi32> -> vector<128x128xf32>
    %slice3A_410 = vector.extract_strided_slice %get3A_28 {offsets = [0, 18, 0], sizes = [1, 1, 128], strides = [1, 1, 1]} : vector<1x26x128xf32> to vector<1x1x128xf32>
    %squeeze3A_411 = vector.shape_cast %slice3A_410 : vector<1x1x128xf32> to vector<128xf32>
    %broadcast_in_dim3A_412 = vector.shape_cast %squeeze3A_411 : vector<128xf32> to vector<128x1xf32>
    %gt3A_413 = arith.constant 5.000000e-01 : f32
    %gt3A_414 = vector.broadcast %gt3A_413 : f32 to vector<128x1xf32>
    %gt3A_415 = arith.cmpf ogt, %broadcast_in_dim3A_412, %gt3A_414 : vector<128x1xf32>
    %broadcast_in_dim3A_416 = vector.shape_cast %gt3A_415 : vector<128x1xi1> to vector<128x1xi1>
    %broadcast_in_dim3A_417 = vector.broadcast %broadcast_in_dim3A_416 : vector<128x1xi1> to vector<128x128xi1>
    %select_n3A_418 = arith.select %broadcast_in_dim3A_417, %bitcast_convert_type3A_409, %bitcast_convert_type3A_405 : vector<128x128xi1>, vector<128x128xf32>
    %slice3A_419 = vector.extract_strided_slice %select_n3A_418 {offsets = [0, 0], sizes = [128, 64], strides = [1, 1]} : vector<128x128xf32> to vector<128x64xf32>
    %add3A_420 = arith.addf %add3A_399, %slice3A_419 : vector<128x64xf32>
    %slice3A_421 = vector.extract_strided_slice %bitcast_convert_type3A {offsets = [0, 19, 0, 0], sizes = [1, 1, 128, 128], strides = [1, 1, 1, 1]} : vector<1x26x128x128xi32> to vector<1x1x128x128xi32>
    %squeeze3A_422 = vector.shape_cast %slice3A_421 : vector<1x1x128x128xi32> to vector<128x128xi32>
    %and3A_423 = arith.constant -65536 : i32
    %and3A_424 = vector.broadcast %and3A_423 : i32 to vector<128x128xi32>
    %and3A_425 = arith.andi %squeeze3A_422, %and3A_424 : vector<128x128xi32>
    %bitcast_convert_type3A_426 = tpu.bitcast %and3A_425 : vector<128x128xi32> -> vector<128x128xf32>
    %shift_left3A_427 = arith.constant 16 : i32
    %shift_left3A_428 = vector.broadcast %shift_left3A_427 : i32 to vector<128x128xi32>
    %shift_left3A_429 = arith.shli %squeeze3A_422, %shift_left3A_428 : vector<128x128xi32>
    %bitcast_convert_type3A_430 = tpu.bitcast %shift_left3A_429 : vector<128x128xi32> -> vector<128x128xf32>
    %slice3A_431 = vector.extract_strided_slice %get3A_28 {offsets = [0, 19, 0], sizes = [1, 1, 128], strides = [1, 1, 1]} : vector<1x26x128xf32> to vector<1x1x128xf32>
    %squeeze3A_432 = vector.shape_cast %slice3A_431 : vector<1x1x128xf32> to vector<128xf32>
    %broadcast_in_dim3A_433 = vector.shape_cast %squeeze3A_432 : vector<128xf32> to vector<128x1xf32>
    %gt3A_434 = arith.constant 5.000000e-01 : f32
    %gt3A_435 = vector.broadcast %gt3A_434 : f32 to vector<128x1xf32>
    %gt3A_436 = arith.cmpf ogt, %broadcast_in_dim3A_433, %gt3A_435 : vector<128x1xf32>
    %broadcast_in_dim3A_437 = vector.shape_cast %gt3A_436 : vector<128x1xi1> to vector<128x1xi1>
    %broadcast_in_dim3A_438 = vector.broadcast %broadcast_in_dim3A_437 : vector<128x1xi1> to vector<128x128xi1>
    %select_n3A_439 = arith.select %broadcast_in_dim3A_438, %bitcast_convert_type3A_430, %bitcast_convert_type3A_426 : vector<128x128xi1>, vector<128x128xf32>
    %slice3A_440 = vector.extract_strided_slice %select_n3A_439 {offsets = [0, 64], sizes = [128, 64], strides = [1, 1]} : vector<128x128xf32> to vector<128x64xf32>
    %add3A_441 = arith.addf %add3A_420, %slice3A_440 : vector<128x64xf32>
    %slice3A_442 = vector.extract_strided_slice %bitcast_convert_type3A {offsets = [0, 20, 0, 0], sizes = [1, 1, 128, 128], strides = [1, 1, 1, 1]} : vector<1x26x128x128xi32> to vector<1x1x128x128xi32>
    %squeeze3A_443 = vector.shape_cast %slice3A_442 : vector<1x1x128x128xi32> to vector<128x128xi32>
    %and3A_444 = arith.constant -65536 : i32
    %and3A_445 = vector.broadcast %and3A_444 : i32 to vector<128x128xi32>
    %and3A_446 = arith.andi %squeeze3A_443, %and3A_445 : vector<128x128xi32>
    %bitcast_convert_type3A_447 = tpu.bitcast %and3A_446 : vector<128x128xi32> -> vector<128x128xf32>
    %shift_left3A_448 = arith.constant 16 : i32
    %shift_left3A_449 = vector.broadcast %shift_left3A_448 : i32 to vector<128x128xi32>
    %shift_left3A_450 = arith.shli %squeeze3A_443, %shift_left3A_449 : vector<128x128xi32>
    %bitcast_convert_type3A_451 = tpu.bitcast %shift_left3A_450 : vector<128x128xi32> -> vector<128x128xf32>
    %slice3A_452 = vector.extract_strided_slice %get3A_28 {offsets = [0, 20, 0], sizes = [1, 1, 128], strides = [1, 1, 1]} : vector<1x26x128xf32> to vector<1x1x128xf32>
    %squeeze3A_453 = vector.shape_cast %slice3A_452 : vector<1x1x128xf32> to vector<128xf32>
    %broadcast_in_dim3A_454 = vector.shape_cast %squeeze3A_453 : vector<128xf32> to vector<128x1xf32>
    %gt3A_455 = arith.constant 5.000000e-01 : f32
    %gt3A_456 = vector.broadcast %gt3A_455 : f32 to vector<128x1xf32>
    %gt3A_457 = arith.cmpf ogt, %broadcast_in_dim3A_454, %gt3A_456 : vector<128x1xf32>
    %broadcast_in_dim3A_458 = vector.shape_cast %gt3A_457 : vector<128x1xi1> to vector<128x1xi1>
    %broadcast_in_dim3A_459 = vector.broadcast %broadcast_in_dim3A_458 : vector<128x1xi1> to vector<128x128xi1>
    %select_n3A_460 = arith.select %broadcast_in_dim3A_459, %bitcast_convert_type3A_451, %bitcast_convert_type3A_447 : vector<128x128xi1>, vector<128x128xf32>
    %slice3A_461 = vector.extract_strided_slice %select_n3A_460 {offsets = [0, 0], sizes = [128, 64], strides = [1, 1]} : vector<128x128xf32> to vector<128x64xf32>
    %add3A_462 = arith.addf %add3A_441, %slice3A_461 : vector<128x64xf32>
    %slice3A_463 = vector.extract_strided_slice %bitcast_convert_type3A {offsets = [0, 21, 0, 0], sizes = [1, 1, 128, 128], strides = [1, 1, 1, 1]} : vector<1x26x128x128xi32> to vector<1x1x128x128xi32>
    %squeeze3A_464 = vector.shape_cast %slice3A_463 : vector<1x1x128x128xi32> to vector<128x128xi32>
    %and3A_465 = arith.constant -65536 : i32
    %and3A_466 = vector.broadcast %and3A_465 : i32 to vector<128x128xi32>
    %and3A_467 = arith.andi %squeeze3A_464, %and3A_466 : vector<128x128xi32>
    %bitcast_convert_type3A_468 = tpu.bitcast %and3A_467 : vector<128x128xi32> -> vector<128x128xf32>
    %shift_left3A_469 = arith.constant 16 : i32
    %shift_left3A_470 = vector.broadcast %shift_left3A_469 : i32 to vector<128x128xi32>
    %shift_left3A_471 = arith.shli %squeeze3A_464, %shift_left3A_470 : vector<128x128xi32>
    %bitcast_convert_type3A_472 = tpu.bitcast %shift_left3A_471 : vector<128x128xi32> -> vector<128x128xf32>
    %slice3A_473 = vector.extract_strided_slice %get3A_28 {offsets = [0, 21, 0], sizes = [1, 1, 128], strides = [1, 1, 1]} : vector<1x26x128xf32> to vector<1x1x128xf32>
    %squeeze3A_474 = vector.shape_cast %slice3A_473 : vector<1x1x128xf32> to vector<128xf32>
    %broadcast_in_dim3A_475 = vector.shape_cast %squeeze3A_474 : vector<128xf32> to vector<128x1xf32>
    %gt3A_476 = arith.constant 5.000000e-01 : f32
    %gt3A_477 = vector.broadcast %gt3A_476 : f32 to vector<128x1xf32>
    %gt3A_478 = arith.cmpf ogt, %broadcast_in_dim3A_475, %gt3A_477 : vector<128x1xf32>
    %broadcast_in_dim3A_479 = vector.shape_cast %gt3A_478 : vector<128x1xi1> to vector<128x1xi1>
    %broadcast_in_dim3A_480 = vector.broadcast %broadcast_in_dim3A_479 : vector<128x1xi1> to vector<128x128xi1>
    %select_n3A_481 = arith.select %broadcast_in_dim3A_480, %bitcast_convert_type3A_472, %bitcast_convert_type3A_468 : vector<128x128xi1>, vector<128x128xf32>
    %slice3A_482 = vector.extract_strided_slice %select_n3A_481 {offsets = [0, 64], sizes = [128, 64], strides = [1, 1]} : vector<128x128xf32> to vector<128x64xf32>
    %add3A_483 = arith.addf %add3A_462, %slice3A_482 : vector<128x64xf32>
    %slice3A_484 = vector.extract_strided_slice %bitcast_convert_type3A {offsets = [0, 22, 0, 0], sizes = [1, 1, 128, 128], strides = [1, 1, 1, 1]} : vector<1x26x128x128xi32> to vector<1x1x128x128xi32>
    %squeeze3A_485 = vector.shape_cast %slice3A_484 : vector<1x1x128x128xi32> to vector<128x128xi32>
    %and3A_486 = arith.constant -65536 : i32
    %and3A_487 = vector.broadcast %and3A_486 : i32 to vector<128x128xi32>
    %and3A_488 = arith.andi %squeeze3A_485, %and3A_487 : vector<128x128xi32>
    %bitcast_convert_type3A_489 = tpu.bitcast %and3A_488 : vector<128x128xi32> -> vector<128x128xf32>
    %shift_left3A_490 = arith.constant 16 : i32
    %shift_left3A_491 = vector.broadcast %shift_left3A_490 : i32 to vector<128x128xi32>
    %shift_left3A_492 = arith.shli %squeeze3A_485, %shift_left3A_491 : vector<128x128xi32>
    %bitcast_convert_type3A_493 = tpu.bitcast %shift_left3A_492 : vector<128x128xi32> -> vector<128x128xf32>
    %slice3A_494 = vector.extract_strided_slice %get3A_28 {offsets = [0, 22, 0], sizes = [1, 1, 128], strides = [1, 1, 1]} : vector<1x26x128xf32> to vector<1x1x128xf32>
    %squeeze3A_495 = vector.shape_cast %slice3A_494 : vector<1x1x128xf32> to vector<128xf32>
    %broadcast_in_dim3A_496 = vector.shape_cast %squeeze3A_495 : vector<128xf32> to vector<128x1xf32>
    %gt3A_497 = arith.constant 5.000000e-01 : f32
    %gt3A_498 = vector.broadcast %gt3A_497 : f32 to vector<128x1xf32>
    %gt3A_499 = arith.cmpf ogt, %broadcast_in_dim3A_496, %gt3A_498 : vector<128x1xf32>
    %broadcast_in_dim3A_500 = vector.shape_cast %gt3A_499 : vector<128x1xi1> to vector<128x1xi1>
    %broadcast_in_dim3A_501 = vector.broadcast %broadcast_in_dim3A_500 : vector<128x1xi1> to vector<128x128xi1>
    %select_n3A_502 = arith.select %broadcast_in_dim3A_501, %bitcast_convert_type3A_493, %bitcast_convert_type3A_489 : vector<128x128xi1>, vector<128x128xf32>
    %slice3A_503 = vector.extract_strided_slice %select_n3A_502 {offsets = [0, 0], sizes = [128, 64], strides = [1, 1]} : vector<128x128xf32> to vector<128x64xf32>
    %add3A_504 = arith.addf %add3A_483, %slice3A_503 : vector<128x64xf32>
    %slice3A_505 = vector.extract_strided_slice %bitcast_convert_type3A {offsets = [0, 23, 0, 0], sizes = [1, 1, 128, 128], strides = [1, 1, 1, 1]} : vector<1x26x128x128xi32> to vector<1x1x128x128xi32>
    %squeeze3A_506 = vector.shape_cast %slice3A_505 : vector<1x1x128x128xi32> to vector<128x128xi32>
    %and3A_507 = arith.constant -65536 : i32
    %and3A_508 = vector.broadcast %and3A_507 : i32 to vector<128x128xi32>
    %and3A_509 = arith.andi %squeeze3A_506, %and3A_508 : vector<128x128xi32>
    %bitcast_convert_type3A_510 = tpu.bitcast %and3A_509 : vector<128x128xi32> -> vector<128x128xf32>
    %shift_left3A_511 = arith.constant 16 : i32
    %shift_left3A_512 = vector.broadcast %shift_left3A_511 : i32 to vector<128x128xi32>
    %shift_left3A_513 = arith.shli %squeeze3A_506, %shift_left3A_512 : vector<128x128xi32>
    %bitcast_convert_type3A_514 = tpu.bitcast %shift_left3A_513 : vector<128x128xi32> -> vector<128x128xf32>
    %slice3A_515 = vector.extract_strided_slice %get3A_28 {offsets = [0, 23, 0], sizes = [1, 1, 128], strides = [1, 1, 1]} : vector<1x26x128xf32> to vector<1x1x128xf32>
    %squeeze3A_516 = vector.shape_cast %slice3A_515 : vector<1x1x128xf32> to vector<128xf32>
    %broadcast_in_dim3A_517 = vector.shape_cast %squeeze3A_516 : vector<128xf32> to vector<128x1xf32>
    %gt3A_518 = arith.constant 5.000000e-01 : f32
    %gt3A_519 = vector.broadcast %gt3A_518 : f32 to vector<128x1xf32>
    %gt3A_520 = arith.cmpf ogt, %broadcast_in_dim3A_517, %gt3A_519 : vector<128x1xf32>
    %broadcast_in_dim3A_521 = vector.shape_cast %gt3A_520 : vector<128x1xi1> to vector<128x1xi1>
    %broadcast_in_dim3A_522 = vector.broadcast %broadcast_in_dim3A_521 : vector<128x1xi1> to vector<128x128xi1>
    %select_n3A_523 = arith.select %broadcast_in_dim3A_522, %bitcast_convert_type3A_514, %bitcast_convert_type3A_510 : vector<128x128xi1>, vector<128x128xf32>
    %slice3A_524 = vector.extract_strided_slice %select_n3A_523 {offsets = [0, 64], sizes = [128, 64], strides = [1, 1]} : vector<128x128xf32> to vector<128x64xf32>
    %add3A_525 = arith.addf %add3A_504, %slice3A_524 : vector<128x64xf32>
    %slice3A_526 = vector.extract_strided_slice %bitcast_convert_type3A {offsets = [0, 24, 0, 0], sizes = [1, 1, 128, 128], strides = [1, 1, 1, 1]} : vector<1x26x128x128xi32> to vector<1x1x128x128xi32>
    %squeeze3A_527 = vector.shape_cast %slice3A_526 : vector<1x1x128x128xi32> to vector<128x128xi32>
    %and3A_528 = arith.constant -65536 : i32
    %and3A_529 = vector.broadcast %and3A_528 : i32 to vector<128x128xi32>
    %and3A_530 = arith.andi %squeeze3A_527, %and3A_529 : vector<128x128xi32>
    %bitcast_convert_type3A_531 = tpu.bitcast %and3A_530 : vector<128x128xi32> -> vector<128x128xf32>
    %shift_left3A_532 = arith.constant 16 : i32
    %shift_left3A_533 = vector.broadcast %shift_left3A_532 : i32 to vector<128x128xi32>
    %shift_left3A_534 = arith.shli %squeeze3A_527, %shift_left3A_533 : vector<128x128xi32>
    %bitcast_convert_type3A_535 = tpu.bitcast %shift_left3A_534 : vector<128x128xi32> -> vector<128x128xf32>
    %slice3A_536 = vector.extract_strided_slice %get3A_28 {offsets = [0, 24, 0], sizes = [1, 1, 128], strides = [1, 1, 1]} : vector<1x26x128xf32> to vector<1x1x128xf32>
    %squeeze3A_537 = vector.shape_cast %slice3A_536 : vector<1x1x128xf32> to vector<128xf32>
    %broadcast_in_dim3A_538 = vector.shape_cast %squeeze3A_537 : vector<128xf32> to vector<128x1xf32>
    %gt3A_539 = arith.constant 5.000000e-01 : f32
    %gt3A_540 = vector.broadcast %gt3A_539 : f32 to vector<128x1xf32>
    %gt3A_541 = arith.cmpf ogt, %broadcast_in_dim3A_538, %gt3A_540 : vector<128x1xf32>
    %broadcast_in_dim3A_542 = vector.shape_cast %gt3A_541 : vector<128x1xi1> to vector<128x1xi1>
    %broadcast_in_dim3A_543 = vector.broadcast %broadcast_in_dim3A_542 : vector<128x1xi1> to vector<128x128xi1>
    %select_n3A_544 = arith.select %broadcast_in_dim3A_543, %bitcast_convert_type3A_535, %bitcast_convert_type3A_531 : vector<128x128xi1>, vector<128x128xf32>
    %slice3A_545 = vector.extract_strided_slice %select_n3A_544 {offsets = [0, 0], sizes = [128, 64], strides = [1, 1]} : vector<128x128xf32> to vector<128x64xf32>
    %add3A_546 = arith.addf %add3A_525, %slice3A_545 : vector<128x64xf32>
    %slice3A_547 = vector.extract_strided_slice %bitcast_convert_type3A {offsets = [0, 25, 0, 0], sizes = [1, 1, 128, 128], strides = [1, 1, 1, 1]} : vector<1x26x128x128xi32> to vector<1x1x128x128xi32>
    %squeeze3A_548 = vector.shape_cast %slice3A_547 : vector<1x1x128x128xi32> to vector<128x128xi32>
    %and3A_549 = arith.constant -65536 : i32
    %and3A_550 = vector.broadcast %and3A_549 : i32 to vector<128x128xi32>
    %and3A_551 = arith.andi %squeeze3A_548, %and3A_550 : vector<128x128xi32>
    %bitcast_convert_type3A_552 = tpu.bitcast %and3A_551 : vector<128x128xi32> -> vector<128x128xf32>
    %shift_left3A_553 = arith.constant 16 : i32
    %shift_left3A_554 = vector.broadcast %shift_left3A_553 : i32 to vector<128x128xi32>
    %shift_left3A_555 = arith.shli %squeeze3A_548, %shift_left3A_554 : vector<128x128xi32>
    %bitcast_convert_type3A_556 = tpu.bitcast %shift_left3A_555 : vector<128x128xi32> -> vector<128x128xf32>
    %slice3A_557 = vector.extract_strided_slice %get3A_28 {offsets = [0, 25, 0], sizes = [1, 1, 128], strides = [1, 1, 1]} : vector<1x26x128xf32> to vector<1x1x128xf32>
    %squeeze3A_558 = vector.shape_cast %slice3A_557 : vector<1x1x128xf32> to vector<128xf32>
    %broadcast_in_dim3A_559 = vector.shape_cast %squeeze3A_558 : vector<128xf32> to vector<128x1xf32>
    %gt3A_560 = arith.constant 5.000000e-01 : f32
    %gt3A_561 = vector.broadcast %gt3A_560 : f32 to vector<128x1xf32>
    %gt3A_562 = arith.cmpf ogt, %broadcast_in_dim3A_559, %gt3A_561 : vector<128x1xf32>
    %broadcast_in_dim3A_563 = vector.shape_cast %gt3A_562 : vector<128x1xi1> to vector<128x1xi1>
    %broadcast_in_dim3A_564 = vector.broadcast %broadcast_in_dim3A_563 : vector<128x1xi1> to vector<128x128xi1>
    %select_n3A_565 = arith.select %broadcast_in_dim3A_564, %bitcast_convert_type3A_556, %bitcast_convert_type3A_552 : vector<128x128xi1>, vector<128x128xf32>
    %slice3A_566 = vector.extract_strided_slice %select_n3A_565 {offsets = [0, 64], sizes = [128, 64], strides = [1, 1]} : vector<128x128xf32> to vector<128x64xf32>
    %add3A_567 = arith.addf %add3A_546, %slice3A_566 : vector<128x64xf32>
    %swap3A = arith.constant 0 : index
    %swap3A_568 = arith.constant 0 : index
    %swap3A_569 = vector.load %arg8[%swap3A, %swap3A_568] : memref<128x64xf32, #tpu.memory_space<vmem>>, vector<128x64xf32>
    tpu.vector_store %arg8[%swap3A, %swap3A_568], %add3A_567 {strides = array<i32>} : memref<128x64xf32, #tpu.memory_space<vmem>>, vector<128x64xf32>,
    return
  }
  func.func @transform_0(%arg0: i32) -> (i32, i32, i32, i32) {
    %c0_i32 = arith.constant 0 : i32
    %c0_i32_0 = arith.constant 0 : i32
    %c0_i32_1 = arith.constant 0 : i32
    %c0_i32_2 = arith.constant 0 : i32
    return %arg0, %c0_i32, %c0_i32_0, %c0_i32_1 : i32, i32, i32, i32
  }
  func.func @transform_1(%arg0: i32) -> (i32, i32, i32) {
    %c0_i32 = arith.constant 0 : i32
    %c0_i32_0 = arith.constant 0 : i32
    %c0_i32_1 = arith.constant 0 : i32
    return %arg0, %c0_i32, %c0_i32_0 : i32, i32, i32
  }
  func.func @transform_2(%arg0: i32) -> (i32, i32) {
    %c0_i32 = arith.constant 0 : i32
    %c0_i32_0 = arith.constant 0 : i32
    return %arg0, %c0_i32 : i32, i32
  }
  func.func @transform_3(%arg0: i32) -> (i32, i32) {
    %c0_i32 = arith.constant 0 : i32
    %c0_i32_0 = arith.constant 0 : i32
    %c0_i32_1 = arith.constant 0 : i32
    return %c0_i32, %c0_i32_0 : i32, i32
  }
  func.func @transform_4(%arg0: i32) -> (i32, i32) {
    %c0_i32 = arith.constant 0 : i32
    %c0_i32_0 = arith.constant 0 : i32
    %c0_i32_1 = arith.constant 0 : i32
    return %c0_i32, %c0_i32_0 : i32, i32
  }
  func.func @transform_5(%arg0: i32) -> (i32, i32) {
    %c0_i32 = arith.constant 0 : i32
    %c0_i32_0 = arith.constant 0 : i32
    %c0_i32_1 = arith.constant 0 : i32
    return %c0_i32, %c0_i32_0 : i32, i32
  }
  func.func @transform_6(%arg0: i32) -> (i32, i32) {
    %c0_i32 = arith.constant 0 : i32
    %c0_i32_0 = arith.constant 0 : i32
    %c0_i32_1 = arith.constant 0 : i32
    return %c0_i32, %c0_i32_0 : i32, i32
  }
  func.func @transform_7(%arg0: i32) -> (i32, i32) {
    %c0_i32 = arith.constant 0 : i32
    %c0_i32_0 = arith.constant 0 : i32
    return %arg0, %c0_i32 : i32, i32
  }
}

</mosaic_0001>

<sc_bundles>
// kernel: kernel.5.cloned.1.call-start
scs
__scs_entry_jumppad:
0x0: {  	(pc) =	sbr.rel $0x88, $3  }
0x1: {  	(tag) =	ssettag $0x0;
	lr =	simm.s32 $0x1  }
0x2: {  	[smem:$0x3F9A] =	sst lr;
	_ =	strace $0xD0000000  }
0x3: {  	_ = 	snop  }
0x4: {  	_ = 	snop  }
0x5: {  	_ = 	snop  }
0x6: {  	_ = 	snop  }
0x7: {  	_ = 	snop  }
__scs_overlays_trampoline_lowered:
0x8: {  	[smem:$0x3FA9] =	sst s0  }
0x9: {  	[smem:$0x3FAA] =	sst s1  }
0xa: {  	[smem:$0x3FAB] =	sst s2  }
0xb: {  	[smem:$0x3FAC] =	sst s3  }
0xc: {  	[smem:$0x3FAD] =	sst s4  }
0xd: {  	[smem:$0x3FAE] =	sst s5  }
0xe: {  	[smem:$0x3FAF] =	sst s6  }
0xf: {  	[smem:$0x3FB0] =	sst s7  }
0x10: {  	[smem:$0x3FB1] =	sst s8  }
0x11: {  	[smem:$0x3FB2] =	sst s9;
	s0 =	simm.s32 @!p0 $0x0  }
0x12: {  	s1 =	sld [smem:$0x3F98];
	s0 =	simm.s32 @p0 $0x1  }
0x13: {  	[smem:$0x3FB3] =	sst s0;
	s0 =	simm.s32 @!p1 $0x0  }
0x14: {  	s2 =	sld [smem:$0x3F97];
	s0 =	simm.s32 @p1 $0x1  }
0x15: {  	[smem:$0x3FB4] =	sst s0;
	s0 =	simm.s32 @!p2 $0x0  }
0x16: {  	s3 =	sld [smem:$0x3FDB];
	s0 =	simm.s32 @p2 $0x1  }
0x17: {  	s4 =	simm.s32 $0x1BF5;
	[smem:$0x3FB6] =	sst s0  }
0x18: {  	s0 =	sld [smem:$0x3F99];
	_ =	swait.ge [sflag:s4], $0x0  }
0x19: {  	s7 =	sld [smem:$0x3F9A]  }
0x1a: {  	s8 =	sadd.s32 $0xFFFFE003, lr  }
0x1b: {  	s9 =	sadd.s32 $0xFFFFFEF7, lr;
	s5 =	simm.s32 $0xFFFFFFFF;
	p2 =	slt.u32 s8, $0xFFFFF086  }
0x1c: {  	p1 =	slt.u32 s9, $0xF7A;
	s5 =	simm.s32 @!p2 $0x0  }
0x1d: {  	s5 =	simm.s32 @p1 $0x1;
	p0 =	seq.s32 s7, s2  }
0x1e: {  	s7 =	smul.u32 @!p0 $0xF7A, s2;
	p2 =	seq.s32 @!p0 s5, $0x0  }
0x1f: {  	s9 =	smul.u32 $0xF7A, s1;
	s8 =	simm.s32 @!p0 $0x1BF5;
	p2 =	por !p2, p0  }
0x20: {  	[sflag:s8] =	ssyncset.s32 @!p0 $0xFFFFF086;
	s6 =	sadd.s32 @!p0 s3, s7;
	s7 =	simm.s32 @!p0 $0x108  }
0x21: {  	s3 =	sadd.s32 s3, s9;
	s6 =	sadd.s32 @!p0 $0x88, s6;
	s7 =	simm.s32 @p2 $0x1082  }
0x22: {  	[simem:s7], [sflag:s8] =	dma.local @!p0 [hbm:s6], $0xF7A  }
0x23: {  	s9 =	sor.u32 $0xD0000000, s2;
	s6 =	simm.s32 $0x108;
	_ =	swait.ge @!p0 [sflag:s8], $0x0  }
0x24: {  	s3 =	sadd.s32 $0x88, s3;
	s6 =	simm.s32 @!p1 $0x1082;
	[sflag:s4] =	ssyncset.s32 $0xFFFFF086  }
0x25: {  	[simem:s6], [sflag:s4] =	dma.local [hbm:s3], $0xF7A  }
0x26: {  	[smem:$0x3F9A] =	sst s1;
	(tag) =	ssettag s2;
	_ =	strace s9  }
0x27: {  	s1 =	sld [smem:$0x3FAA]  }
0x28: {  	s2 =	sld [smem:$0x3FAB]  }
0x29: {  	s4 =	sld [smem:$0x3FAD]  }
0x2a: {  	p0 =	seq.s32 s5, $0x0;
	s5 =	sld [smem:$0x3FAE]  }
0x2b: {  	s6 =	sld [smem:$0x3FAF]  }
0x2c: {  	s7 =	sld [smem:$0x3FB0]  }
0x2d: {  	s3 =	simm.s32 $0x108;
	s8 =	sld [smem:$0x3FB1]  }
0x2e: {  	s3 =	simm.s32 @!p0 $0x1082;
	s9 =	sld [smem:$0x3FB2]  }
0x2f: {  	lr =	sadd.s32 s0, s3;
	s0 =	sld [smem:$0x3FA9]  }
0x30: {  	s3 =	sld [smem:$0x3FAC]  }
0x31: {  	[smem:$0x3FB5] =	sst s10  }
0x32: {  	s10 =	sld [smem:$0x3FB3];
	_ =	sdelay $0x3  }
0x33: {  	p0 =	seq.s32 s10, $0x1;
	s10 =	sld [smem:$0x3FB5];
	_ =	sdelay $0x3  }
0x34: {  	[smem:$0x3FB5] =	sst s10  }
0x35: {  	s10 =	sld [smem:$0x3FB4];
	_ =	sdelay $0x3  }
0x36: {  	p1 =	seq.s32 s10, $0x1;
	s10 =	sld [smem:$0x3FB5];
	_ =	sdelay $0x3  }
0x37: {  	[smem:$0x3FB5] =	sst s10  }
0x38: {  	s10 =	sld [smem:$0x3FB6]  }
0x39: {  	_ = 	snop;
	(pc) =	sbr.ind lr, $3  }
0x3a: {  	_ = 	snop  }
0x3b: {  	_ = 	snop  }
0x3c: {  	p2 =	seq.s32 s10, $0x1;
	s10 =	sld [smem:$0x3FB5]  }
0x3d: {  	_ =	shalt  }
0x3e: {  	_ =	shalt  }
0x3f: {  	_ =	shalt  }
0x40: {  	_ =	shalt  }
0x41: {  	_ =	shalt  }
0x42: {  	_ =	shalt  }
0x43: {  	_ =	shalt  }
0x44: {  	_ =	shalt  }
0x45: {  	_ =	shalt  }
0x46: {  	_ =	shalt  }
0x47: {  	_ =	shalt  }
0x48: {  	_ =	shalt  }
0x49: {  	_ =	shalt  }
0x4a: {  	_ =	shalt  }
0x4b: {  	_ =	shalt  }
0x4c: {  	_ =	shalt  }
0x4d: {  	_ =	shalt  }
0x4e: {  	_ =	shalt  }
0x4f: {  	_ =	shalt  }
0x50: {  	_ =	shalt  }
0x51: {  	_ =	shalt  }
0x52: {  	_ =	shalt  }
0x53: {  	_ =	shalt  }
0x54: {  	_ =	shalt  }
0x55: {  	_ =	shalt  }
0x56: {  	_ =	shalt  }
0x57: {  	_ =	shalt  }
0x58: {  	_ =	shalt  }
0x59: {  	_ =	shalt  }
0x5a: {  	_ =	shalt  }
0x5b: {  	_ =	shalt  }
0x5c: {  	_ =	shalt  }
0x5d: {  	_ =	shalt  }
0x5e: {  	_ =	shalt  }
0x5f: {  	_ =	shalt  }
0x60: {  	_ =	shalt  }
0x61: {  	_ =	shalt  }
0x62: {  	_ =	shalt  }
0x63: {  	_ =	shalt  }
0x64: {  	_ =	shalt  }
0x65: {  	_ =	shalt  }
0x66: {  	_ =	shalt  }
0x67: {  	_ =	shalt  }
0x68: {  	_ =	shalt  }
0x69: {  	_ =	shalt  }
0x6a: {  	_ =	shalt  }
0x6b: {  	_ =	shalt  }
0x6c: {  	_ =	shalt  }
0x6d: {  	_ =	shalt  }
0x6e: {  	_ =	shalt  }
0x6f: {  	_ =	shalt  }
0x70: {  	_ =	shalt  }
0x71: {  	_ =	shalt  }
0x72: {  	_ =	shalt  }
0x73: {  	_ =	shalt  }
0x74: {  	_ =	shalt  }
0x75: {  	_ =	shalt  }
0x76: {  	_ =	shalt  }
0x77: {  	_ =	shalt  }
0x78: {  	_ =	shalt  }
0x79: {  	_ =	shalt  }
0x7a: {  	_ =	shalt  }
0x7b: {  	_ =	shalt  }
0x7c: {  	_ =	shalt  }
0x7d: {  	_ =	shalt  }
0x7e: {  	_ =	shalt  }
0x7f: {  	_ =	shalt  }
0x80: {  	_ =	shalt  }
0x81: {  	_ =	shalt  }
0x82: {  	_ =	shalt  }
0x83: {  	_ =	shalt  }
0x84: {  	_ =	shalt  }
0x85: {  	_ =	shalt  }
0x86: {  	_ =	shalt  }
0x87: {  	_ =	shalt  }
.Lfunc_end0:
.L_simem_size_0:
called_computation_lowered:
.L_overlay_start_0:
0x88: {  	s2 =	sld [smem:$0x3FD9]  }
0x89: {  	s3 =	sld [smem:$0x3FFE];
	_ =	sdelay $0x1  }
0x8a: {  	s1 =	srdreg.scid  }
0x8b: {  	s0 =	sand.u32 $0x1, s1  }
0x8c: {  	s16 =	sshll.u32 s0, $0xA;
	s2 =	sadd.s32 s3, s2  }
0x8d: {  	s2 =	sadd.s32 s2, s16  }
0x8e: {  	[smem:$0x3FC1] =	sst s2  }
0x8f: {  	_ = 	snop  }
0x90: {  	(tm) =	ssettm $0x1  }
0x91: {  	s17 =	sld [smem:$0x3FFB];
	_ =	sdelay $0x3  }
0x92: {  	_ =	strace s17  }
0x93: {  	s2 =	sld [smem:$0x3FFC];
	_ =	sdelay $0x3  }
0x94: {  	_ =	strace s2  }
0x95: {  	s2 =	sld [smem:$0x3FFD];
	_ =	sdelay $0x3  }
0x96: {  	_ =	strace s2  }
0x97: {  	_ =	strace $0x8FFFFFFF  }
0x98: {  	s18 =	sld [smem:$0x3FDB];
	_ =	sdelay $0x1  }
0x99: {  	s19 =	simm.s32 $_scs_section_size  }
0x9a: {  	s4 =	simm.s32 $_size__tile_overlayer_lowered;
	s5 =	simm.s32 $_tile_overlayer_lowered  }
0x9b: {  	s22 =	simm.s32 $0x1BFF;
	s21 =	sshll.u32 s5, $0x1;
	s2 =	sadd.s32 s19, s18  }
0x9c: {  	s6 =	simm.s32 $0x0;
	s20 =	sshll.u32 s4, $0x1;
	s4 =	sadd.s32 s21, s2  }
0x9d: {  	[timem:s6], [sflag:s22] =	dma.local [hbm:s4], s20  }
0x9e: {  	_ =	swait.ge [sflag:s22], s20  }
0x9f: {  	s3 =	ssub.s32 $0x0, s20;
	[sflag:s22] =	ssyncset.done $0x0  }
0xa0: {  	[sflag:s22] =	ssyncadd.s32 s3;
	_ =	sdelay $0x1  }
0xa1: {  	s23 =	simm.s32 $0x1B8B  }
0xa2: {  	_ =	swait.ge [sflag:s23], $0x1  }
0xa3: {  	[sflag:s23] =	ssyncset.done $0x0  }
0xa4: {  	s25 =	simm.s32 $0x1B8E;
	s24 =	sld [smem:$0x3FFE];
	[sflag:s23] =	ssyncadd.s32 $0xFFFFFFFF  }
0xa5: {  	s26 =	simm.s32 $execute0_lowered;
	[smem:$0x3FD2] =	sst s25  }
0xa6: {  	s4 =	sshll.u32 s26, $0x1;
	_ =	strace $0x80000046;
	[dreg:$0x1] =	wrdreg $0xFFFFFFFF  }
0xa7: {  	s28 =	simm.s32 $_size_execute0_lowered;
	s2 =	sadd.s32 s2, s4;
	[dreg:$0x0] =	wrdreg $0x0  }
0xa8: {  	s4 =	sshll.u32 s28, $0x1;
	[dreg:$0x2] =	wrdreg s2  }
0xa9: {  	[dreg:$0x3] =	wrdreg s4  }
0xaa: {  	[dreg:$0x4] =	wrdreg $0xC0  }
0xab: {  	_ =	task [dreg:s6], $0x5FFFF  }
0xac: {  	[dreg:$0x1] =	wrdreg $0xFFFFFFFF  }
0xad: {  	[dreg:$0x0] =	wrdreg $0x60  }
0xae: {  	[dreg:$0x2] =	wrdreg s24  }
0xaf: {  	[dreg:$0x3] =	wrdreg $0x9  }
0xb0: {  	_ =	task.clear_ibuf [dreg:s6], $0x4FFFF;
	_ =	strace $0x90000046  }
0xb1: {  	s29 =	simm.s32 $0x9;
	_ =	strace $0x80000048  }
0xb2: {  	_ =	swait.ge [sflag:s29], $0x1  }
0xb3: {  	[sflag:s29] =	ssyncadd.s32 $0xFFFFFFFF  }
0xb4: {  	_ =	strace $0x90000048  }
0xb5: {  	_ =	sfence  }
0xb6: {  	s30 =	sld [smem:$0x0];
	_ =	sdelay $0x2  }
0xb7: {  	s31 =	sshll.u32 s1, $0xD;
	s1 =	sshrl.u32 s1, $0x2  }
0xb8: {  	s3 =	sand.u32 $0x4000, s31;
	s1 =	sadd.s32 s1, s30  }
0xb9: {  	s0 =	sor.u32 s3, s0;
	s1 =	sshll.u32 s1, $0x11  }
0xba: {  	s0 =	sor.u32 s1, s0  }
0xbb: {  	s0 =	sadd.s32 $0x8F2B, s0  }
0xbc: {  	[sflag:s0] =	ssyncadd.remote.s32 $0x1  }
0xbd: {  	_ =	sfence.sel $0xFFFF  }
0xbe: {  	[dreg:$0x0] =	wrdreg $0xFFFFFFFF;
	(pc) =	sbr.abs _section_cstart, $3  }
0xbf: {  	[dreg:$0x1] =	wrdreg $0xFFFFFFFF  }
0xc0: {  	_ =	task.clear_ibuf [dreg:s6], $0x2FFFF;
	_ =	strace $0x9FFFFFFF  }
0xc1: {  	(tm) =	ssettm $0x7FFFFFFF  }
tec
execute0_lowered:
.L_overlay_start_1:
0x0: {  	(tag) =	ssettag $0x1  }
0x1: {  	s4 =	rddreg [dreg:$0x0]  }
0x2: {  	s0 =	rddreg [dreg:$0x1]  }
0x3: {  	s2 =	simm.s32 $0x0;
	s3 =	srdreg.scid;
	s1 =	stileid.u32  }
0x4: {  	s9 =	simm.s32 $0x1000;
	s10 =	simm.s32 $0x1;
	s11 =	simm.s32 $0x0  }
0x5: {  	[smem:$0x7FF] =	sst s2;
	s3 =	sand.u32 $0x1, s3;
	s5 =	smul.u32 $0xD0000, s1  }
0x6: {  	s6 =	sshll.u32 s1, $0xA;
	s7 =	sshll.u32 s3, $0x9;
	s8 =	smul.u32 $0x68000, s3  }
0x7: {  	_ =	strace $0x80000047;
	s29 =	ssub.s32 $0x2, s3;
	s3 =	sadd.s32 $0x5600, s4  }
0x8: {  	s6 =	sor.u32 s7, s6;
	s30 =	sshrl.u32 s29, $0x1;
	s5 =	sadd.s32 s8, s5  }
0x9: {  	s6 =	sadd.s32 s6, s4;
	s7 =	ssub.s32 s29, s30;
	s5 =	sshrl.u32 s5, $0x3  }
0xa: {  	s8 =	simm.s32 $0x80;
	s31 =	sadd.s32 s5, s4;
	s4 =	sadd.s32 $0x1600, s6  }
0xb: {  	s5 =	smax.u32 s7, $0x1;
	s7 =	simm.s32 $0x2;
	s6 =	sadd.s32 $0xA2D600, s31  }
.LBB2_1:
0xc: {  	[tilespmem:s2], [sflag:$0x2] =	stream.linear.gather [hbm4b:s4+s2], $0x1000, $0x38;
	[tilespmem:$0x5000] =	vst v63  }
0xd: {  	_ =	swait.ge [sflag:s7], $0x1000  }
0xe: {  	[sflag:s7] =	ssyncset.done $0x0  }
0xf: {  	s12 =	simm.s32 $0x0;
	[sflag:s7] =	ssyncadd.s32 $0xFFFFF000  }
0x10: {  	[tilespmem:s9], [sflag:$0x1] =	stream.indirect.gather [hbm4b:s3+s8], $0x80, s12, s8, $0xb8;
	[tilespmem:$0x5000] =	vst v63  }
0x11: {  	_ =	swait.ge [sflag:s10], $0x4000  }
0x12: {  	[sflag:s10] =	ssyncset.done $0x0  }
0x13: {  	[sflag:s10] =	ssyncadd.s32 $0xFFFFC000  }
0x14: {  	[hbm4b:s6+s2] =	stream.linear.scatter [tilespmem:s9], [sflag:$0x2], $0x4000, $0x38;
	[tilespmem:$0x5000] =	vst v63  }
0x15: {  	s13 =	simm.s32 $0x200;
	_ =	swait.ge [sflag:s7], $0x4000  }
0x16: {  	s14 =	simm.s32 $0x400;
	s12 =	sadd.s32 $0x800, s6;
	[sflag:s7] =	ssyncset.done $0x0  }
.LBB2_2:
0x17: {  	s15 =	sshra.s32 s13, $0x2  }
0x18: {  	[sflag:s7] =	ssyncadd.s32 $0xFFFFC000;
	s13 =	smov.u32 s14;
	s16 =	sadd.s32 $0x200, s14  }
0x19: {  	[tilespmem:s9], [sflag:$0x1] =	stream.indirect.gather [hbm4b:s3+s8], $0x80, s15, s8, $0xb8;
	[tilespmem:$0x5000] =	vst v63  }
0x1a: {  	p0 =	sne.s32 s14, $0x3200;
	_ =	swait.ge [sflag:s10], $0x4000  }
.Ltmp0:
0x1b: {  	[sflag:s10] =	ssyncset.done $0x0;
	(pc) =	sbr.rel @p0 .LBB2_2-.Ltmp0, $4  }
0x1c: {  	[sflag:s10] =	ssyncadd.s32 $0xFFFFC000  }
0x1d: {  	[hbm4b:s12+s2] =	stream.linear.scatter [tilespmem:s9], [sflag:$0x2], $0x4000, $0x38;
	[tilespmem:$0x5000] =	vst v63  }
0x1e: {  	_ =	swait.ge [sflag:s7], $0x4000  }
0x1f: {  	s14 =	smov.u32 s16;
	s12 =	sadd.s32 $0x800, s12;
	[sflag:s7] =	ssyncset.done $0x0  }
0x20: {  	s13 =	sshra.s32 s13, $0x2;
	[sflag:s7] =	ssyncadd.s32 $0xFFFFC000  }
0x21: {  	[tilespmem:s9], [sflag:$0x1] =	stream.indirect.gather [hbm4b:s3+s8], $0x80, s13, s8, $0xb8;
	[tilespmem:$0x5000] =	vst v63  }
0x22: {  	s11 =	sadd.s32 $0x1, s11;
	_ =	swait.ge [sflag:s10], $0x4000  }
0x23: {  	p0 =	sne.s32 s11, s5;
	[sflag:s10] =	ssyncset.done $0x0  }
.Ltmp1:
0x24: {  	[sflag:s10] =	ssyncadd.s32 $0xFFFFC000;
	(pc) =	sbr.rel @p0 .LBB2_1-.Ltmp1, $4  }
0x25: {  	[hbm4b:s12+s2] =	stream.linear.scatter [tilespmem:s9], [sflag:$0x2], $0x4000, $0x38;
	[tilespmem:$0x5000] =	vst v63  }
0x26: {  	_ =	swait.ge [sflag:s7], $0x4000  }
0x27: {  	[sflag:s7] =	ssyncset.done $0x0  }
0x28: {  	[sflag:s7] =	ssyncadd.s32 $0xFFFFC000  }
0x29: {  	_ =	sfence.sel $0x180000  }
0x2a: {  	[bflag:$0x0] =	sbarrier.arrive $0xFFFF  }
0x2b: {  	p0 =	sne.s32 s1, $0x0;
	_ =	strace $0x90000047  }
0x2c: {  	s0 =	sadd.s32 @!p0 $0x100000, s0;
	[bflag:$0x2] =	sbarrier.arrive $0xFFFF  }
0x2d: {  	[sflag:s0] =	ssyncadd.tile.s32 @!p0 $0x1;
	_ =	shalt  }
.Lfunc_end2:
_tile_overlayer_lowered:
.L_overlay_start_2:
0x2e: {  	(tag) =	ssettag $0x2  }
0x2f: {  	s0 =	rddreg [dreg:$0x0];
	s2 =	stileid.u32  }
0x30: {  	s1 =	rddreg [dreg:$0x1];
	p0 =	sne.s32 s2, $0x0  }
0x31: {  	s3 =	rddreg [dreg:$0x2];
	[bflag:$0x3] =	sbarrier.arrive $0xFFFF;
	s2 =	simm.s32 @!p0 $0x1C02  }
0x32: {  	[timem:s3], [sflag:s2] =	dma.local @!p0 [hbm:s0], s1  }
0x33: {  	s0 =	simm.s32 @!p0 $0x2  }
0x34: {  	_ =	swait.ge @!p0 [sflag:s0], s1  }
0x35: {  	s1 =	ssub.s32 @!p0 $0x0, s1;
	[sflag:s0] =	ssyncset.done @!p0 $0x0  }
0x36: {  	[sflag:s0] =	ssyncadd.s32 @!p0 s1  }
0x37: {  	[bflag:$0x3] =	sbarrier.arrive $0xFFFF  }
0x38: {  	_ =	shalt  }

</sc_bundles>
